<compile_context>
chip_gen: v7x
topology: tpu7x:2x2x1
jax: 0.10.2.dev20260603
libtpu: 0.0.44.dev20260713+nightly
codegen_flags: <defaults>
</compile_context>

<pallas_src>
import functools

import jax
import jax.numpy as jnp
from jax import lax
from jax.experimental import pallas as pl
from jax.experimental.pallas import tpu as pltpu
from jax.experimental.pallas import tpu_sc as plsc

N = 10000
NPAD = 10240
E = 160000
EPAD = 163840
D = 128
DOUT = 16

NCORES = 2
NSUB = 16
ROWS_PER_TILE = NPAD // NSUB
EDGES_PER_CORE = EPAD // NCORES
EDGES_PER_TILE = EDGES_PER_CORE // NSUB
WIN = 128
NWIN = EDGES_PER_TILE // WIN

_MESH = plsc.VectorSubcoreMesh(core_axis_name="c", subcore_axis_name="s")



def _make_deg_kernel():
    @functools.partial(
        pl.kernel,
        mesh=_MESH,
        out_type=[
            jax.ShapeDtypeStruct((NPAD,), jnp.float32),
            jax.ShapeDtypeStruct((NPAD,), jnp.float32),
        ],
        scratch_types=[
            pltpu.VMEM((NWIN, WIN), jnp.int32),
            pltpu.VMEM((WIN,), jnp.float32),
            pltpu.VMEM((ROWS_PER_TILE,), jnp.float32),
            pltpu.VMEM_SHARED((NPAD,), jnp.float32),
            pltpu.SemaphoreType.DMA,
            pltpu.SemaphoreType.DMA,
        ],
    )
    def deg_kernel(dstw_hbm, deg0_hbm, deg1_hbm, dstb, ones_v,
                   zrow_v, sdeg, ssem0, ssem1):
        c = lax.axis_index("c")
        s = lax.axis_index("s")

        def fill_ones(i, carry):
            ones_v[pl.ds(i * 16, 16)] = jnp.full((16,), 1.0, jnp.float32)
            return carry
        lax.fori_loop(0, WIN // 16, fill_ones, 0)

        def fill_zero(i, carry):
            zrow_v[pl.ds(i * 16, 16)] = jnp.zeros((16,), jnp.float32)
            return carry
        lax.fori_loop(0, ROWS_PER_TILE // 16, fill_zero, 0)

        wrow0 = c * (EDGES_PER_CORE // WIN) + s * NWIN
        pltpu.sync_copy(dstw_hbm.at[pl.ds(wrow0, NWIN)], dstb)
        pltpu.sync_copy(zrow_v, sdeg.at[pl.ds(s * ROWS_PER_TILE, ROWS_PER_TILE)])
        plsc.subcore_barrier()

        pltpu.async_copy(ones_v, sdeg.at[dstb.at[0]], ssem0, add=True)

        def win(i, carry):
            w0 = 2 * i
            d1 = pltpu.async_copy(ones_v, sdeg.at[dstb.at[w0 + 1]], ssem1,
                                  add=True)
            pltpu.make_async_copy(ones_v, sdeg.at[dstb.at[w0]], ssem0).wait()

            @pl.when(i < NWIN // 2 - 1)
            def _():
                pltpu.async_copy(ones_v, sdeg.at[dstb.at[w0 + 2]], ssem0,
                                 add=True)

            d1.wait()
            return carry
        lax.fori_loop(0, NWIN // 2, win, 0)

        plsc.subcore_barrier()

        @pl.when(c == 0)
        def _():
            pltpu.sync_copy(sdeg.at[pl.ds(s * ROWS_PER_TILE, ROWS_PER_TILE)],
                            deg0_hbm.at[pl.ds(s * ROWS_PER_TILE, ROWS_PER_TILE)])

        @pl.when(c == 1)
        def _():
            pltpu.sync_copy(sdeg.at[pl.ds(s * ROWS_PER_TILE, ROWS_PER_TILE)],
                            deg1_hbm.at[pl.ds(s * ROWS_PER_TILE, ROWS_PER_TILE)])

    return deg_kernel


CHUNK = 128
NCHUNK = EDGES_PER_TILE // CHUNK


def _make_agg_kernel():
    @functools.partial(
        pl.kernel,
        mesh=_MESH,
        out_type=[
            jax.ShapeDtypeStruct((NPAD, D), jnp.float32),
            jax.ShapeDtypeStruct((NPAD, D), jnp.float32),
        ],
        scratch_types=[
            pltpu.VMEM((NCHUNK, CHUNK), jnp.int32),
            pltpu.VMEM((NWIN, WIN), jnp.int32),
            pltpu.VMEM((CHUNK, D), jnp.float32),
            pltpu.VMEM((CHUNK, D), jnp.float32),
            pltpu.VMEM_SHARED((NPAD, D), jnp.float32),
            pltpu.SemaphoreType.DMA,
            pltpu.SemaphoreType.DMA,
            pltpu.SemaphoreType.DMA,
            pltpu.SemaphoreType.DMA,
        ],
    )
    def agg_kernel(hs_hbm, srcg_hbm, dstw_hbm, r0_hbm, r1_hbm,
                   srcb, dstb, rows0, rows1, sagg, gsem0, gsem1, ssem0, ssem1):
        c = lax.axis_index("c")
        s = lax.axis_index("s")

        def fill_zero(k, carry):
            rows0[k // 8, pl.ds((k % 8) * 16, 16)] = jnp.zeros((16,), jnp.float32)
            return carry
        lax.fori_loop(0, CHUNK * 8, fill_zero, 0)

        def zero_spmem(k, carry):
            pltpu.sync_copy(rows0, sagg.at[pl.ds(s * ROWS_PER_TILE + k * CHUNK, CHUNK)])
            return carry
        lax.fori_loop(0, ROWS_PER_TILE // CHUNK, zero_spmem, 0)

        grow0 = c * (EDGES_PER_CORE // CHUNK) + s * NCHUNK
        wrow0 = c * (EDGES_PER_CORE // WIN) + s * NWIN
        pltpu.sync_copy(srcg_hbm.at[pl.ds(grow0, NCHUNK)], srcb)
        pltpu.sync_copy(dstw_hbm.at[pl.ds(wrow0, NWIN)], dstb)

        plsc.subcore_barrier()

        pltpu.async_copy(hs_hbm.at[srcb.at[0]], rows0, gsem0)

        def body(i, carry):
            c0 = 2 * i

            @pl.when(i > 0)
            def _():
                pltpu.make_async_copy(rows1, sagg.at[dstb.at[c0 - 1]],
                                      ssem1).wait()

            g1 = pltpu.async_copy(hs_hbm.at[srcb.at[c0 + 1]], rows1, gsem1)
            pltpu.make_async_copy(hs_hbm.at[srcb.at[c0]], rows0, gsem0).wait()
            pltpu.async_copy(rows0, sagg.at[dstb.at[c0]], ssem0, add=True)

            @pl.when(i < NCHUNK // 2 - 1)
            def _():
                pltpu.make_async_copy(rows0, sagg.at[dstb.at[c0]],
                                      ssem0).wait()
                pltpu.async_copy(hs_hbm.at[srcb.at[c0 + 2]], rows0, gsem0)

            g1.wait()
            pltpu.async_copy(rows1, sagg.at[dstb.at[c0 + 1]], ssem1, add=True)
            return carry
        lax.fori_loop(0, NCHUNK // 2, body, 0)

        pltpu.make_async_copy(rows0, sagg.at[dstb.at[NCHUNK - 2]], ssem0).wait()
        pltpu.make_async_copy(rows1, sagg.at[dstb.at[NCHUNK - 1]], ssem1).wait()

        plsc.subcore_barrier()

        @pl.when(c == 0)
        def _():
            pltpu.sync_copy(sagg.at[pl.ds(s * ROWS_PER_TILE, ROWS_PER_TILE)],
                            r0_hbm.at[pl.ds(s * ROWS_PER_TILE, ROWS_PER_TILE)])

        @pl.when(c == 1)
        def _():
            pltpu.sync_copy(sagg.at[pl.ds(s * ROWS_PER_TILE, ROWS_PER_TILE)],
                            r1_hbm.at[pl.ds(s * ROWS_PER_TILE, ROWS_PER_TILE)])

    return agg_kernel


_deg_call = _make_deg_kernel()
_agg_call = _make_agg_kernel()



_BLK = 1024
_GRID = NPAD // _BLK


def _dinv(deg0_ref, deg1_ref):
    deg = deg0_ref[...] + deg1_ref[...]
    return lax.rsqrt(jnp.maximum(deg, 1.0))[:, None]



def _enc_body(x_ref, w_ref, b_ref, deg0_ref, deg1_ref, g_ref):
    h = jnp.maximum(
        jnp.dot(x_ref[...], w_ref[...], preferred_element_type=jnp.float32)
        + b_ref[...][None, :], 0.0)
    g_ref[...] = h * _dinv(deg0_ref, deg1_ref)


def _layer_body(g_ref, r0_ref, r1_ref, deg0_ref, deg1_ref, w_ref, b_ref,
                g2_ref):
    dinv = _dinv(deg0_ref, deg1_ref)
    agg = (r0_ref[...] + r1_ref[...]) * dinv
    g2_ref[...] = g_ref[...] + dinv * jnp.maximum(
        jnp.dot(agg, w_ref[...], preferred_element_type=jnp.float32)
        + b_ref[...][None, :], 0.0)


def _final_body(g_ref, r0_ref, r1_ref, deg0_ref, deg1_ref, w_ref, b_ref,
                wh_ref, bh_ref, out_ref):
    deg = deg0_ref[...] + deg1_ref[...]
    rdeg = jnp.sqrt(jnp.maximum(deg, 1.0))[:, None]
    dinv = lax.rsqrt(jnp.maximum(deg, 1.0))[:, None]
    agg = (r0_ref[...] + r1_ref[...]) * dinv
    h3 = g_ref[...] * rdeg + jnp.maximum(
        jnp.dot(agg, w_ref[...], preferred_element_type=jnp.float32)
        + b_ref[...][None, :], 0.0)
    out_ref[...] = (
        jnp.dot(h3, wh_ref[...], preferred_element_type=jnp.float32)
        + bh_ref[...][None, :])[:, :DOUT]


def _row_spec(blk=_BLK):
    return pl.BlockSpec((blk, D), lambda i: (i, 0))


def _w_spec():
    return pl.BlockSpec((D, D), lambda i: (0, 0))


def _b_spec():
    return pl.BlockSpec((D,), lambda i: (0,))


def _deg_spec(blk=_BLK):
    return pl.BlockSpec((blk,), lambda i: (i,))


_enc_call = pl.pallas_call(
    _enc_body,
    grid=(_GRID,),
    in_specs=[_row_spec(), _w_spec(), _b_spec(), _deg_spec(), _deg_spec()],
    out_specs=_row_spec(),
    out_shape=jax.ShapeDtypeStruct((NPAD, D), jnp.float32),
)

_layer_call = pl.pallas_call(
    _layer_body,
    grid=(_GRID,),
    in_specs=[_row_spec(), _row_spec(), _row_spec(), _deg_spec(), _deg_spec(),
              _w_spec(), _b_spec()],
    out_specs=_row_spec(),
    out_shape=jax.ShapeDtypeStruct((NPAD, D), jnp.float32),
)

_final_call = pl.pallas_call(
    _final_body,
    grid=(_GRID,),
    in_specs=[_row_spec(), _row_spec(), _row_spec(), _deg_spec(), _deg_spec(),
              _w_spec(), _b_spec(), _w_spec(), _b_spec()],
    out_specs=pl.BlockSpec((_BLK, DOUT), lambda i: (i, 0)),
    out_shape=jax.ShapeDtypeStruct((N, DOUT), jnp.float32),
)



def kernel(x, edge_index, W_enc, b_enc, W0, b0, W1, b1, W_head, b_head):
    src = edge_index[0].astype(jnp.int32)
    dst = edge_index[1].astype(jnp.int32)
    pad = N + (jnp.arange(EPAD - E, dtype=jnp.int32) % (NPAD - N))
    src_g = jnp.concatenate([src, pad]).reshape(EPAD // CHUNK, CHUNK)
    dst_w = jnp.concatenate([dst, pad]).reshape(EPAD // WIN, WIN)

    deg0, deg1 = _deg_call(dst_w)

    g = _enc_call(x, W_enc, b_enc, deg0, deg1)
    r0, r1 = _agg_call(g, src_g, dst_w)
    g2 = _layer_call(g, r0, r1, deg0, deg1, W0, b0)
    r0b, r1b = _agg_call(g2, src_g, dst_w)

    wh = jnp.zeros((D, D), jnp.float32).at[:, :DOUT].set(W_head)
    bh = jnp.zeros((D,), jnp.float32).at[:DOUT].set(b_head)
    return _final_call(g2, r0b, r1b, deg0, deg1, W1, b1, wh, bh)

# --- scband reference (transcript-rebuilt; emitter-appended) ---
"""Pipeline reference for scband-colour-gnn-13048110645762 (READ-ONLY COPY).

The authoritative reference and input builder live on the scoring server;
editing this copy changes nothing except your own understanding.
"""

import jax, jax.numpy as jnp
import numpy as np

N = 10000      # n_nodes
E = 160000     # n_edges
D = 128        # dim_in == cfg.gnn.dim_inner
S = 2          # cfg.gnn.num_samples (colour samples, features repeated)
DOUT = 16      # dim_out


def setup_inputs(seed: int = 0) -> dict:
    key = jax.random.key(seed)
    ks = jax.random.split(key, 10)
    x = jax.random.normal(ks[0], (N, D), dtype=jnp.float32)
    edge_index = jax.random.randint(ks[1], (2, E), 0, N)
    sc = 1.0 / np.sqrt(D)
    W_enc = jax.random.normal(ks[2], (D, D), dtype=jnp.float32) * sc
    b_enc = jnp.zeros((D,), dtype=jnp.float32)
    W0 = jax.random.normal(ks[3], (D, D), dtype=jnp.float32) * sc
    b0 = jnp.zeros((D,), dtype=jnp.float32)
    W1 = jax.random.normal(ks[4], (D, D), dtype=jnp.float32) * sc
    b1 = jnp.zeros((D,), dtype=jnp.float32)
    W_head = jax.random.normal(ks[5], (D, DOUT), dtype=jnp.float32) * sc
    b_head = jnp.zeros((DOUT,), dtype=jnp.float32)
    return {"x": x, "edge_index": edge_index, "W_enc": W_enc, "b_enc": b_enc,
            "W0": W0, "b0": b0, "W1": W1, "b1": b1,
            "W_head": W_head, "b_head": b_head}


def reference(x, edge_index, W_enc, b_enc, W0, b0, W1, b1, W_head, b_head):
    # FeatureEncoder + GNNPreMP (linear + relu)
    h = jax.nn.relu(x @ W_enc + b_enc)
    # x_repeated = x.repeat((1, num_samples)) -> treat as S colour channels
    h = jnp.tile(h, (1, S)).reshape(N, S, D)
    src = edge_index[0]
    dst = edge_index[1]
    # GCNConvLayerColour: symmetric-normalized message passing per colour sample
    ones = jnp.ones((E,), dtype=jnp.float32)
    deg = jax.ops.segment_sum(ones, dst, num_segments=N)
    deg = jnp.maximum(deg, 1.0)
    norm = jax.lax.rsqrt(deg[src] * deg[dst])
    for W, b in ((W0, b0), (W1, b1)):
        msg = h[src] * norm[:, None, None]          # gather over edges
        agg = jax.ops.segment_sum(msg, dst, num_segments=N)  # scatter-add
        h = h + jax.nn.relu(jnp.einsum('nsd,de->nse', agg, W) + b)  # residual
    # MeanAveraging readout over the num_samples colour copies
    readout = h.mean(axis=1)
    # post_mp node head
    return readout @ W_head + b_head

if __name__ == "__main__":
    import jax
    _d = setup_inputs()
    print(jax.jit(kernel)(*tuple(_d.values())))

</pallas_src>

<mosaic_0001>
#map = affine_map<(d0, d1) -> (0, 0)>
module attributes {stable_mosaic.version = 14 : i64} {
  func.func @agg_kernel(%arg0: i32, %arg1: i32, %arg2: memref<10240x128xf32, #tpu.memory_space<hbm>>, %arg3: memref<1280x128xi32, #tpu.memory_space<hbm>>, %arg4: memref<1280x128xi32, #tpu.memory_space<hbm>>, %arg5: memref<10240x128xf32, #tpu.memory_space<hbm>>, %arg6: memref<10240x128xf32, #tpu.memory_space<hbm>>, %arg7: memref<40x128xi32, #tpu.memory_space<vmem>>, %arg8: memref<40x128xi32, #tpu.memory_space<vmem>>, %arg9: memref<128x128xf32, #tpu.memory_space<vmem>>, %arg10: memref<128x128xf32, #tpu.memory_space<vmem>>, %arg11: memref<10240x128xf32, #tpu.memory_space<vmem_shared>>, %arg12: memref<!tpu.dma_semaphore, #tpu.memory_space<semaphore_mem>>, %arg13: memref<!tpu.dma_semaphore, #tpu.memory_space<semaphore_mem>>, %arg14: memref<!tpu.dma_semaphore, #tpu.memory_space<semaphore_mem>>, %arg15: memref<!tpu.dma_semaphore, #tpu.memory_space<semaphore_mem>>) attributes {dimension_semantics = [#tpu.dimension_semantics<core_parallel>, #tpu.dimension_semantics<subcore_parallel>], iteration_bounds = array<i64: 2, 16>, scalar_prefetch = 0 : i64, scratch_operands = 9 : i64, tpu.core_type = #tpu.core_type<sc_vector_subcore>, window_params = [{transform_indices = #map}, {transform_indices = #map}, {transform_indices = #map}, {transform_indices = #map}, {transform_indices = #map}]} {
    %scan3A = arith.constant 0 : i32
    %scan3A_0 = arith.constant 0 : i32
    %scan3A_1 = arith.constant 1024 : i32
    %scan3A_2 = arith.addi %scan3A_0, %scan3A_1 : i32
    %scan3A_3 = arith.constant 1 : i32
    scf.for %scan3A_52 = %scan3A_0 to %scan3A_2 step %scan3A_3  : i32 {
      %broadcast_in_dim3A = arith.constant 0.000000e+00 : f32
      %broadcast_in_dim3A_53 = vector.broadcast %broadcast_in_dim3A : f32 to vector<16xf32>
      %jit3A = arith.constant 8 : i32
      %div3A = arith.divsi %scan3A_52, %jit3A : i32
      %sign3A = arith.constant 0 : i32
      %sign3A_54 = arith.cmpi sgt, %scan3A_52, %sign3A : i32
      %sign3A_55 = arith.extui %sign3A_54 : i1 to i32
      %sign3A_56 = arith.constant 0 : i32
      %sign3A_57 = arith.cmpi slt, %scan3A_52, %sign3A_56 : i32
      %sign3A_58 = arith.extui %sign3A_57 : i1 to i32
      %sign3A_59 = arith.subi %sign3A_55, %sign3A_58 : i32
      %sign3A_60 = arith.constant 0 : i32
      %sign3A_61 = arith.cmpi sgt, %jit3A, %sign3A_60 : i32
      %sign3A_62 = arith.extui %sign3A_61 : i1 to i32
      %sign3A_63 = arith.constant 0 : i32
      %sign3A_64 = arith.cmpi slt, %jit3A, %sign3A_63 : i32
      %sign3A_65 = arith.extui %sign3A_64 : i1 to i32
      %sign3A_66 = arith.subi %sign3A_62, %sign3A_65 : i32
      %ne3A = arith.cmpi ne, %sign3A_59, %sign3A_66 : i32
      %rem3A = arith.remsi %scan3A_52, %jit3A : i32
      %ne3A_67 = arith.constant 0 : i32
      %ne3A_68 = arith.cmpi ne, %rem3A, %ne3A_67 : i32
      %and3A = arith.andi %ne3A, %ne3A_68 : i1
      %sub3A = arith.constant 1 : i32
      %sub3A_69 = arith.subi %div3A, %sub3A : i32
      %select_n3A = arith.select %and3A, %sub3A_69, %div3A : i32
      %jit3A_70 = arith.constant 8 : i32
      %eq3A_71 = arith.constant 0 : i32
      %eq3A_72 = arith.cmpi eq, %jit3A_70, %eq3A_71 : i32
      %jit3A_73 = arith.constant 1 : i32
      %select_n3A_74 = arith.select %eq3A_72, %jit3A_73, %jit3A_70 : i32
      %rem3A_75 = arith.remsi %scan3A_52, %select_n3A_74 : i32
      %ne3A_76 = arith.constant 0 : i32
      %ne3A_77 = arith.cmpi ne, %rem3A_75, %ne3A_76 : i32
      %lt3A = arith.constant 0 : i32
      %lt3A_78 = arith.cmpi slt, %rem3A_75, %lt3A : i32
      %lt3A_79 = arith.constant 0 : i32
      %lt3A_80 = arith.cmpi slt, %select_n3A_74, %lt3A_79 : i32
      %ne3A_81 = arith.xori %lt3A_78, %lt3A_80 : i1
      %and3A_82 = arith.andi %ne3A_81, %ne3A_77 : i1
      %add3A_83 = arith.addi %rem3A_75, %select_n3A_74 : i32
      %select_n3A_84 = arith.select %and3A_82, %add3A_83, %rem3A_75 : i32
      %mul3A_85 = arith.constant 16 : i32
      %mul3A_86 = arith.muli %select_n3A_84, %mul3A_85 : i32
      %swap3A = arith.index_cast %select_n3A : i32 to index
      %swap3A_87 = arith.index_cast %mul3A_86 : i32 to index
      %swap3A_88 = tpu.vector_load %arg9[%swap3A, %swap3A_87] {strides = array<i32>} : memref<128x128xf32, #tpu.memory_space<vmem>>, vector<1x16xf32>,
      %swap3A_89 = vector.shape_cast %swap3A_88 : vector<1x16xf32> to vector<16xf32>
      %swap3A_90 = vector.shape_cast %broadcast_in_dim3A_53 : vector<16xf32> to vector<1x16xf32>
      tpu.vector_store %arg9[%swap3A, %swap3A_87], %swap3A_90 {strides = array<i32>} : memref<128x128xf32, #tpu.memory_space<vmem>>, vector<1x16xf32>,
    }
    %scan3A_4 = arith.constant 1024 : i32
    %scan3A_5 = arith.constant 0 : i32
    %scan3A_6 = arith.constant 0 : i32
    %scan3A_7 = arith.constant 5 : i32
    %scan3A_8 = arith.addi %scan3A_6, %scan3A_7 : i32
    %scan3A_9 = arith.constant 1 : i32
    scf.for %scan3A_52 = %scan3A_6 to %scan3A_8 step %scan3A_9  : i32 {
      %mul3A_53 = arith.constant 640 : i32
      %mul3A_54 = arith.muli %arg1, %mul3A_53 : i32
      %mul3A_55 = arith.constant 128 : i32
      %mul3A_56 = arith.muli %scan3A_52, %mul3A_55 : i32
      %add3A_57 = arith.addi %mul3A_54, %mul3A_56 : i32
      "tpu.region"() ({
        %run_scoped3A = tpu.sem_alloc : memref<!tpu.dma_semaphore, #tpu.memory_space<semaphore_mem>>
        %dma_start3A_58 = arith.constant 0 : i32
        %dma_start3A_59 = tpu.memref_slice %arg11[%add3A_57, %dma_start3A_58] : memref<10240x128xf32, #tpu.memory_space<vmem_shared>> -> memref<128x128xf32, #tpu.memory_space<vmem_shared>>
        %dma_start3A_60 = arith.constant 0 : i32
        %dma_start3A_61 = tpu.memref_slice %arg11[%add3A_57, %dma_start3A_60] : memref<10240x128xf32, #tpu.memory_space<vmem_shared>> -> memref<128x128xf32, #tpu.memory_space<vmem_shared>>
        tpu.enqueue_dma source(%arg9 : memref<128x128xf32, #tpu.memory_space<vmem>>) target(%dma_start3A_61 : memref<128x128xf32, #tpu.memory_space<vmem_shared>>) target_semaphore(%run_scoped3A : memref<!tpu.dma_semaphore, #tpu.memory_space<semaphore_mem>>)
        %dma_wait3A_62 = arith.constant 0 : i32
        %dma_wait3A_63 = tpu.memref_slice %arg11[%add3A_57, %dma_wait3A_62] : memref<10240x128xf32, #tpu.memory_space<vmem_shared>> -> memref<128x128xf32, #tpu.memory_space<vmem_shared>>
        %dma_wait3A_64 = arith.constant 0 : i32
        %dma_wait3A_65 = tpu.memref_slice %arg11[%add3A_57, %dma_wait3A_64] : memref<10240x128xf32, #tpu.memory_space<vmem_shared>> -> memref<128x128xf32, #tpu.memory_space<vmem_shared>>
        tpu.wait_dma2 semaphore(%run_scoped3A : memref<!tpu.dma_semaphore, #tpu.memory_space<semaphore_mem>>) src(%arg9 : memref<128x128xf32, #tpu.memory_space<vmem>>) dst(%dma_wait3A_65 : memref<128x128xf32, #tpu.memory_space<vmem_shared>>)
        tpu.yield
      }) : () -> ()
    }
    %scan3A_10 = arith.constant 5 : i32
    %mul3A = arith.constant 640 : i32
    %mul3A_11 = arith.muli %arg0, %mul3A : i32
    %mul3A_12 = arith.constant 40 : i32
    %mul3A_13 = arith.muli %arg1, %mul3A_12 : i32
    %add3A = arith.addi %mul3A_11, %mul3A_13 : i32
    %mul3A_14 = arith.constant 640 : i32
    %mul3A_15 = arith.muli %arg0, %mul3A_14 : i32
    %mul3A_16 = arith.constant 40 : i32
    %mul3A_17 = arith.muli %arg1, %mul3A_16 : i32
    %add3A_18 = arith.addi %mul3A_15, %mul3A_17 : i32
    "tpu.region"() ({
      %run_scoped3A = tpu.sem_alloc : memref<!tpu.dma_semaphore, #tpu.memory_space<semaphore_mem>>
      %dma_start3A_52 = arith.constant 0 : i32
      %dma_start3A_53 = tpu.memref_slice %arg3[%add3A, %dma_start3A_52] : memref<1280x128xi32, #tpu.memory_space<hbm>> -> memref<40x128xi32, #tpu.memory_space<hbm>>
      %dma_start3A_54 = arith.constant 0 : i32
      %dma_start3A_55 = tpu.memref_slice %arg3[%add3A, %dma_start3A_54] : memref<1280x128xi32, #tpu.memory_space<hbm>> -> memref<40x128xi32, #tpu.memory_space<hbm>>
      tpu.enqueue_dma source(%dma_start3A_55 : memref<40x128xi32, #tpu.memory_space<hbm>>) target(%arg7 : memref<40x128xi32, #tpu.memory_space<vmem>>) target_semaphore(%run_scoped3A : memref<!tpu.dma_semaphore, #tpu.memory_space<semaphore_mem>>)
      %dma_wait3A_56 = arith.constant 0 : i32
      %dma_wait3A_57 = tpu.memref_slice %arg3[%add3A, %dma_wait3A_56] : memref<1280x128xi32, #tpu.memory_space<hbm>> -> memref<40x128xi32, #tpu.memory_space<hbm>>
      %dma_wait3A_58 = arith.constant 0 : i32
      %dma_wait3A_59 = tpu.memref_slice %arg3[%add3A, %dma_wait3A_58] : memref<1280x128xi32, #tpu.memory_space<hbm>> -> memref<40x128xi32, #tpu.memory_space<hbm>>
      tpu.wait_dma2 semaphore(%run_scoped3A : memref<!tpu.dma_semaphore, #tpu.memory_space<semaphore_mem>>) src(%dma_wait3A_59 : memref<40x128xi32, #tpu.memory_space<hbm>>) dst(%arg7 : memref<40x128xi32, #tpu.memory_space<vmem>>)
      tpu.yield
    }) : () -> ()
    "tpu.region"() ({
      %run_scoped3A = tpu.sem_alloc : memref<!tpu.dma_semaphore, #tpu.memory_space<semaphore_mem>>
      %dma_start3A_52 = arith.constant 0 : i32
      %dma_start3A_53 = tpu.memref_slice %arg4[%add3A_18, %dma_start3A_52] : memref<1280x128xi32, #tpu.memory_space<hbm>> -> memref<40x128xi32, #tpu.memory_space<hbm>>
      %dma_start3A_54 = arith.constant 0 : i32
      %dma_start3A_55 = tpu.memref_slice %arg4[%add3A_18, %dma_start3A_54] : memref<1280x128xi32, #tpu.memory_space<hbm>> -> memref<40x128xi32, #tpu.memory_space<hbm>>
      tpu.enqueue_dma source(%dma_start3A_55 : memref<40x128xi32, #tpu.memory_space<hbm>>) target(%arg8 : memref<40x128xi32, #tpu.memory_space<vmem>>) target_semaphore(%run_scoped3A : memref<!tpu.dma_semaphore, #tpu.memory_space<semaphore_mem>>)
      %dma_wait3A_56 = arith.constant 0 : i32
      %dma_wait3A_57 = tpu.memref_slice %arg4[%add3A_18, %dma_wait3A_56] : memref<1280x128xi32, #tpu.memory_space<hbm>> -> memref<40x128xi32, #tpu.memory_space<hbm>>
      %dma_wait3A_58 = arith.constant 0 : i32
      %dma_wait3A_59 = tpu.memref_slice %arg4[%add3A_18, %dma_wait3A_58] : memref<1280x128xi32, #tpu.memory_space<hbm>> -> memref<40x128xi32, #tpu.memory_space<hbm>>
      tpu.wait_dma2 semaphore(%run_scoped3A : memref<!tpu.dma_semaphore, #tpu.memory_space<semaphore_mem>>) src(%dma_wait3A_59 : memref<40x128xi32, #tpu.memory_space<hbm>>) dst(%arg8 : memref<40x128xi32, #tpu.memory_space<vmem>>)
      tpu.yield
    }) : () -> ()
    %barrier3A = arith.constant 0 : index
    tpu.barrier barrier_id(%barrier3A)
    %dma_start3A = arith.constant 0 : i32
    %dma_start3A_19 = arith.constant 0 : i32
    %dma_start3A_20 = tpu.memref_slice %arg7[%dma_start3A, %dma_start3A_19] : memref<40x128xi32, #tpu.memory_space<vmem>> -> memref<1x128xi32, #tpu.memory_space<vmem>>
    %dma_start3A_21 = tpu.memref_squeeze %dma_start3A_20 : memref<1x128xi32, #tpu.memory_space<vmem>> -> memref<128xi32, #tpu.memory_space<vmem>>
    %dma_start3A_22 = arith.constant 0 : i32
    %dma_start3A_23 = arith.constant 0 : i32
    %dma_start3A_24 = tpu.memref_slice %arg2[%dma_start3A_22, %dma_start3A_23] : memref<10240x128xf32, #tpu.memory_space<hbm>> -> memref<10240x128xf32, #tpu.memory_space<hbm>>
    tpu.enqueue_indirect_dma source(%dma_start3A_24 : memref<10240x128xf32, #tpu.memory_space<hbm>>) target(%arg9 : memref<128x128xf32, #tpu.memory_space<vmem>>) offsets(%dma_start3A_21 : memref<128xi32, #tpu.memory_space<vmem>>) semaphore(%arg12 : memref<!tpu.dma_semaphore, #tpu.memory_space<semaphore_mem>>)
    %scan3A_25 = arith.constant 0 : i32
    %scan3A_26 = arith.constant 0 : i32
    %scan3A_27 = arith.constant 20 : i32
    %scan3A_28 = arith.addi %scan3A_26, %scan3A_27 : i32
    %scan3A_29 = arith.constant 1 : i32
    scf.for %scan3A_52 = %scan3A_26 to %scan3A_28 step %scan3A_29  : i32 {
      %mul3A_53 = arith.constant 2 : i32
      %mul3A_54 = arith.muli %mul3A_53, %scan3A_52 : i32
      %gt3A = arith.constant 0 : i32
      %gt3A_55 = arith.cmpi sgt, %scan3A_52, %gt3A : i32
      %convert_element_type3A_56 = arith.extui %gt3A_55 : i1 to i32
      %cond3A_57 = arith.constant 0 : i32
      %cond3A_58 = arith.cmpi ne, %convert_element_type3A_56, %cond3A_57 : i32
      scf.if %cond3A_58 {
        %sub3A = arith.constant 1 : i32
        %sub3A_97 = arith.subi %mul3A_54, %sub3A : i32
        %dma_wait3A_98 = arith.constant 0 : i32
        %dma_wait3A_99 = tpu.memref_slice %arg8[%sub3A_97, %dma_wait3A_98] : memref<40x128xi32, #tpu.memory_space<vmem>> -> memref<1x128xi32, #tpu.memory_space<vmem>>
        %dma_wait3A_100 = tpu.memref_squeeze %dma_wait3A_99 : memref<1x128xi32, #tpu.memory_space<vmem>> -> memref<128xi32, #tpu.memory_space<vmem>>
        %dma_wait3A_101 = arith.constant 0 : i32
        %dma_wait3A_102 = arith.constant 0 : i32
        %dma_wait3A_103 = tpu.memref_slice %arg11[%dma_wait3A_101, %dma_wait3A_102] : memref<10240x128xf32, #tpu.memory_space<vmem_shared>> -> memref<10240x128xf32, #tpu.memory_space<vmem_shared>>
        tpu.wait_indirect_dma semaphore(%arg15 : memref<!tpu.dma_semaphore, #tpu.memory_space<semaphore_mem>>) src(%arg10 : memref<128x128xf32, #tpu.memory_space<vmem>>) dst(%dma_wait3A_103 : memref<10240x128xf32, #tpu.memory_space<vmem_shared>>)
      } else {
      }
      %add3A_59 = arith.constant 1 : i32
      %add3A_60 = arith.addi %mul3A_54, %add3A_59 : i32
      %dma_start3A_61 = arith.constant 0 : i32
      %dma_start3A_62 = tpu.memref_slice %arg7[%add3A_60, %dma_start3A_61] : memref<40x128xi32, #tpu.memory_space<vmem>> -> memref<1x128xi32, #tpu.memory_space<vmem>>
      %dma_start3A_63 = tpu.memref_squeeze %dma_start3A_62 : memref<1x128xi32, #tpu.memory_space<vmem>> -> memref<128xi32, #tpu.memory_space<vmem>>
      %dma_start3A_64 = arith.constant 0 : i32
      %dma_start3A_65 = arith.constant 0 : i32
      %dma_start3A_66 = tpu.memref_slice %arg2[%dma_start3A_64, %dma_start3A_65] : memref<10240x128xf32, #tpu.memory_space<hbm>> -> memref<10240x128xf32, #tpu.memory_space<hbm>>
      tpu.enqueue_indirect_dma source(%dma_start3A_66 : memref<10240x128xf32, #tpu.memory_space<hbm>>) target(%arg10 : memref<128x128xf32, #tpu.memory_space<vmem>>) offsets(%dma_start3A_63 : memref<128xi32, #tpu.memory_space<vmem>>) semaphore(%arg13 : memref<!tpu.dma_semaphore, #tpu.memory_space<semaphore_mem>>)
      %dma_wait3A_67 = arith.constant 0 : i32
      %dma_wait3A_68 = tpu.memref_slice %arg7[%mul3A_54, %dma_wait3A_67] : memref<40x128xi32, #tpu.memory_space<vmem>> -> memref<1x128xi32, #tpu.memory_space<vmem>>
      %dma_wait3A_69 = tpu.memref_squeeze %dma_wait3A_68 : memref<1x128xi32, #tpu.memory_space<vmem>> -> memref<128xi32, #tpu.memory_space<vmem>>
      %dma_wait3A_70 = arith.constant 0 : i32
      %dma_wait3A_71 = arith.constant 0 : i32
      %dma_wait3A_72 = tpu.memref_slice %arg2[%dma_wait3A_70, %dma_wait3A_71] : memref<10240x128xf32, #tpu.memory_space<hbm>> -> memref<10240x128xf32, #tpu.memory_space<hbm>>
      tpu.wait_indirect_dma semaphore(%arg12 : memref<!tpu.dma_semaphore, #tpu.memory_space<semaphore_mem>>) src(%dma_wait3A_72 : memref<10240x128xf32, #tpu.memory_space<hbm>>) dst(%arg9 : memref<128x128xf32, #tpu.memory_space<vmem>>)
      %dma_start3A_73 = arith.constant 0 : i32
      %dma_start3A_74 = tpu.memref_slice %arg8[%mul3A_54, %dma_start3A_73] : memref<40x128xi32, #tpu.memory_space<vmem>> -> memref<1x128xi32, #tpu.memory_space<vmem>>
      %dma_start3A_75 = tpu.memref_squeeze %dma_start3A_74 : memref<1x128xi32, #tpu.memory_space<vmem>> -> memref<128xi32, #tpu.memory_space<vmem>>
      %dma_start3A_76 = arith.constant 0 : i32
      %dma_start3A_77 = arith.constant 0 : i32
      %dma_start3A_78 = tpu.memref_slice %arg11[%dma_start3A_76, %dma_start3A_77] : memref<10240x128xf32, #tpu.memory_space<vmem_shared>> -> memref<10240x128xf32, #tpu.memory_space<vmem_shared>>
      tpu.enqueue_indirect_dma source(%arg9 : memref<128x128xf32, #tpu.memory_space<vmem>>) target(%dma_start3A_78 : memref<10240x128xf32, #tpu.memory_space<vmem_shared>>) offsets(%dma_start3A_75 : memref<128xi32, #tpu.memory_space<vmem>>) semaphore(%arg14 : memref<!tpu.dma_semaphore, #tpu.memory_space<semaphore_mem>>) {add = true}
      %lt3A = arith.constant 19 : i32
      %lt3A_79 = arith.cmpi slt, %scan3A_52, %lt3A : i32
      %convert_element_type3A_80 = arith.extui %lt3A_79 : i1 to i32
      %cond3A_81 = arith.constant 0 : i32
      %cond3A_82 = arith.cmpi ne, %convert_element_type3A_80, %cond3A_81 : i32
      scf.if %cond3A_82 {
        %dma_wait3A_97 = arith.constant 0 : i32
        %dma_wait3A_98 = tpu.memref_slice %arg8[%mul3A_54, %dma_wait3A_97] : memref<40x128xi32, #tpu.memory_space<vmem>> -> memref<1x128xi32, #tpu.memory_space<vmem>>
        %dma_wait3A_99 = tpu.memref_squeeze %dma_wait3A_98 : memref<1x128xi32, #tpu.memory_space<vmem>> -> memref<128xi32, #tpu.memory_space<vmem>>
        %dma_wait3A_100 = arith.constant 0 : i32
        %dma_wait3A_101 = arith.constant 0 : i32
        %dma_wait3A_102 = tpu.memref_slice %arg11[%dma_wait3A_100, %dma_wait3A_101] : memref<10240x128xf32, #tpu.memory_space<vmem_shared>> -> memref<10240x128xf32, #tpu.memory_space<vmem_shared>>
        tpu.wait_indirect_dma semaphore(%arg14 : memref<!tpu.dma_semaphore, #tpu.memory_space<semaphore_mem>>) src(%arg9 : memref<128x128xf32, #tpu.memory_space<vmem>>) dst(%dma_wait3A_102 : memref<10240x128xf32, #tpu.memory_space<vmem_shared>>)
        %add3A_103 = arith.constant 2 : i32
        %add3A_104 = arith.addi %mul3A_54, %add3A_103 : i32
        %dma_start3A_105 = arith.constant 0 : i32
        %dma_start3A_106 = tpu.memref_slice %arg7[%add3A_104, %dma_start3A_105] : memref<40x128xi32, #tpu.memory_space<vmem>> -> memref<1x128xi32, #tpu.memory_space<vmem>>
        %dma_start3A_107 = tpu.memref_squeeze %dma_start3A_106 : memref<1x128xi32, #tpu.memory_space<vmem>> -> memref<128xi32, #tpu.memory_space<vmem>>
        %dma_start3A_108 = arith.constant 0 : i32
        %dma_start3A_109 = arith.constant 0 : i32
        %dma_start3A_110 = tpu.memref_slice %arg2[%dma_start3A_108, %dma_start3A_109] : memref<10240x128xf32, #tpu.memory_space<hbm>> -> memref<10240x128xf32, #tpu.memory_space<hbm>>
        tpu.enqueue_indirect_dma source(%dma_start3A_110 : memref<10240x128xf32, #tpu.memory_space<hbm>>) target(%arg9 : memref<128x128xf32, #tpu.memory_space<vmem>>) offsets(%dma_start3A_107 : memref<128xi32, #tpu.memory_space<vmem>>) semaphore(%arg12 : memref<!tpu.dma_semaphore, #tpu.memory_space<semaphore_mem>>)
      } else {
      }
      %dma_wait3A_83 = arith.constant 0 : i32
      %dma_wait3A_84 = tpu.memref_slice %arg7[%add3A_60, %dma_wait3A_83] : memref<40x128xi32, #tpu.memory_space<vmem>> -> memref<1x128xi32, #tpu.memory_space<vmem>>
      %dma_wait3A_85 = tpu.memref_squeeze %dma_wait3A_84 : memref<1x128xi32, #tpu.memory_space<vmem>> -> memref<128xi32, #tpu.memory_space<vmem>>
      %dma_wait3A_86 = arith.constant 0 : i32
      %dma_wait3A_87 = arith.constant 0 : i32
      %dma_wait3A_88 = tpu.memref_slice %arg2[%dma_wait3A_86, %dma_wait3A_87] : memref<10240x128xf32, #tpu.memory_space<hbm>> -> memref<10240x128xf32, #tpu.memory_space<hbm>>
      tpu.wait_indirect_dma semaphore(%arg13 : memref<!tpu.dma_semaphore, #tpu.memory_space<semaphore_mem>>) src(%dma_wait3A_88 : memref<10240x128xf32, #tpu.memory_space<hbm>>) dst(%arg10 : memref<128x128xf32, #tpu.memory_space<vmem>>)
      %add3A_89 = arith.constant 1 : i32
      %add3A_90 = arith.addi %mul3A_54, %add3A_89 : i32
      %dma_start3A_91 = arith.constant 0 : i32
      %dma_start3A_92 = tpu.memref_slice %arg8[%add3A_90, %dma_start3A_91] : memref<40x128xi32, #tpu.memory_space<vmem>> -> memref<1x128xi32, #tpu.memory_space<vmem>>
      %dma_start3A_93 = tpu.memref_squeeze %dma_start3A_92 : memref<1x128xi32, #tpu.memory_space<vmem>> -> memref<128xi32, #tpu.memory_space<vmem>>
      %dma_start3A_94 = arith.constant 0 : i32
      %dma_start3A_95 = arith.constant 0 : i32
      %dma_start3A_96 = tpu.memref_slice %arg11[%dma_start3A_94, %dma_start3A_95] : memref<10240x128xf32, #tpu.memory_space<vmem_shared>> -> memref<10240x128xf32, #tpu.memory_space<vmem_shared>>
      tpu.enqueue_indirect_dma source(%arg10 : memref<128x128xf32, #tpu.memory_space<vmem>>) target(%dma_start3A_96 : memref<10240x128xf32, #tpu.memory_space<vmem_shared>>) offsets(%dma_start3A_93 : memref<128xi32, #tpu.memory_space<vmem>>) semaphore(%arg15 : memref<!tpu.dma_semaphore, #tpu.memory_space<semaphore_mem>>) {add = true}
    }
    %scan3A_30 = arith.constant 20 : i32
    %dma_wait3A = arith.constant 38 : i32
    %dma_wait3A_31 = arith.constant 0 : i32
    %dma_wait3A_32 = tpu.memref_slice %arg8[%dma_wait3A, %dma_wait3A_31] : memref<40x128xi32, #tpu.memory_space<vmem>> -> memref<1x128xi32, #tpu.memory_space<vmem>>
    %dma_wait3A_33 = tpu.memref_squeeze %dma_wait3A_32 : memref<1x128xi32, #tpu.memory_space<vmem>> -> memref<128xi32, #tpu.memory_space<vmem>>
    %dma_wait3A_34 = arith.constant 0 : i32
    %dma_wait3A_35 = arith.constant 0 : i32
    %dma_wait3A_36 = tpu.memref_slice %arg11[%dma_wait3A_34, %dma_wait3A_35] : memref<10240x128xf32, #tpu.memory_space<vmem_shared>> -> memref<10240x128xf32, #tpu.memory_space<vmem_shared>>
    tpu.wait_indirect_dma semaphore(%arg14 : memref<!tpu.dma_semaphore, #tpu.memory_space<semaphore_mem>>) src(%arg9 : memref<128x128xf32, #tpu.memory_space<vmem>>) dst(%dma_wait3A_36 : memref<10240x128xf32, #tpu.memory_space<vmem_shared>>)
    %dma_wait3A_37 = arith.constant 39 : i32
    %dma_wait3A_38 = arith.constant 0 : i32
    %dma_wait3A_39 = tpu.memref_slice %arg8[%dma_wait3A_37, %dma_wait3A_38] : memref<40x128xi32, #tpu.memory_space<vmem>> -> memref<1x128xi32, #tpu.memory_space<vmem>>
    %dma_wait3A_40 = tpu.memref_squeeze %dma_wait3A_39 : memref<1x128xi32, #tpu.memory_space<vmem>> -> memref<128xi32, #tpu.memory_space<vmem>>
    %dma_wait3A_41 = arith.constant 0 : i32
    %dma_wait3A_42 = arith.constant 0 : i32
    %dma_wait3A_43 = tpu.memref_slice %arg11[%dma_wait3A_41, %dma_wait3A_42] : memref<10240x128xf32, #tpu.memory_space<vmem_shared>> -> memref<10240x128xf32, #tpu.memory_space<vmem_shared>>
    tpu.wait_indirect_dma semaphore(%arg15 : memref<!tpu.dma_semaphore, #tpu.memory_space<semaphore_mem>>) src(%arg10 : memref<128x128xf32, #tpu.memory_space<vmem>>) dst(%dma_wait3A_43 : memref<10240x128xf32, #tpu.memory_space<vmem_shared>>)
    %barrier3A_44 = arith.constant 0 : index
    tpu.barrier barrier_id(%barrier3A_44)
    %eq3A = arith.constant 0 : i32
    %eq3A_45 = arith.cmpi eq, %arg0, %eq3A : i32
    %convert_element_type3A = arith.extui %eq3A_45 : i1 to i32
    %cond3A = arith.constant 0 : i32
    %cond3A_46 = arith.cmpi ne, %convert_element_type3A, %cond3A : i32
    scf.if %cond3A_46 {
      %mul3A_52 = arith.constant 640 : i32
      %mul3A_53 = arith.muli %arg1, %mul3A_52 : i32
      %mul3A_54 = arith.constant 640 : i32
      %mul3A_55 = arith.muli %arg1, %mul3A_54 : i32
      "tpu.region"() ({
        %run_scoped3A = tpu.sem_alloc : memref<!tpu.dma_semaphore, #tpu.memory_space<semaphore_mem>>
        %dma_start3A_56 = arith.constant 0 : i32
        %dma_start3A_57 = tpu.memref_slice %arg5[%mul3A_55, %dma_start3A_56] : memref<10240x128xf32, #tpu.memory_space<hbm>> -> memref<640x128xf32, #tpu.memory_space<hbm>>
        %dma_start3A_58 = arith.constant 0 : i32
        %dma_start3A_59 = tpu.memref_slice %arg11[%mul3A_53, %dma_start3A_58] : memref<10240x128xf32, #tpu.memory_space<vmem_shared>> -> memref<640x128xf32, #tpu.memory_space<vmem_shared>>
        tpu.enqueue_dma source(%dma_start3A_59 : memref<640x128xf32, #tpu.memory_space<vmem_shared>>) target(%dma_start3A_57 : memref<640x128xf32, #tpu.memory_space<hbm>>) target_semaphore(%run_scoped3A : memref<!tpu.dma_semaphore, #tpu.memory_space<semaphore_mem>>)
        %dma_wait3A_60 = arith.constant 0 : i32
        %dma_wait3A_61 = tpu.memref_slice %arg5[%mul3A_55, %dma_wait3A_60] : memref<10240x128xf32, #tpu.memory_space<hbm>> -> memref<640x128xf32, #tpu.memory_space<hbm>>
        %dma_wait3A_62 = arith.constant 0 : i32
        %dma_wait3A_63 = tpu.memref_slice %arg11[%mul3A_53, %dma_wait3A_62] : memref<10240x128xf32, #tpu.memory_space<vmem_shared>> -> memref<640x128xf32, #tpu.memory_space<vmem_shared>>
        tpu.wait_dma2 semaphore(%run_scoped3A : memref<!tpu.dma_semaphore, #tpu.memory_space<semaphore_mem>>) src(%dma_wait3A_63 : memref<640x128xf32, #tpu.memory_space<vmem_shared>>) dst(%dma_wait3A_61 : memref<640x128xf32, #tpu.memory_space<hbm>>)
        tpu.yield
      }) : () -> ()
    } else {
    }
    %eq3A_47 = arith.constant 1 : i32
    %eq3A_48 = arith.cmpi eq, %arg0, %eq3A_47 : i32
    %convert_element_type3A_49 = arith.extui %eq3A_48 : i1 to i32
    %cond3A_50 = arith.constant 0 : i32
    %cond3A_51 = arith.cmpi ne, %convert_element_type3A_49, %cond3A_50 : i32
    scf.if %cond3A_51 {
      %mul3A_52 = arith.constant 640 : i32
      %mul3A_53 = arith.muli %arg1, %mul3A_52 : i32
      %mul3A_54 = arith.constant 640 : i32
      %mul3A_55 = arith.muli %arg1, %mul3A_54 : i32
      "tpu.region"() ({
        %run_scoped3A = tpu.sem_alloc : memref<!tpu.dma_semaphore, #tpu.memory_space<semaphore_mem>>
        %dma_start3A_56 = arith.constant 0 : i32
        %dma_start3A_57 = tpu.memref_slice %arg6[%mul3A_55, %dma_start3A_56] : memref<10240x128xf32, #tpu.memory_space<hbm>> -> memref<640x128xf32, #tpu.memory_space<hbm>>
        %dma_start3A_58 = arith.constant 0 : i32
        %dma_start3A_59 = tpu.memref_slice %arg11[%mul3A_53, %dma_start3A_58] : memref<10240x128xf32, #tpu.memory_space<vmem_shared>> -> memref<640x128xf32, #tpu.memory_space<vmem_shared>>
        tpu.enqueue_dma source(%dma_start3A_59 : memref<640x128xf32, #tpu.memory_space<vmem_shared>>) target(%dma_start3A_57 : memref<640x128xf32, #tpu.memory_space<hbm>>) target_semaphore(%run_scoped3A : memref<!tpu.dma_semaphore, #tpu.memory_space<semaphore_mem>>)
        %dma_wait3A_60 = arith.constant 0 : i32
        %dma_wait3A_61 = tpu.memref_slice %arg6[%mul3A_55, %dma_wait3A_60] : memref<10240x128xf32, #tpu.memory_space<hbm>> -> memref<640x128xf32, #tpu.memory_space<hbm>>
        %dma_wait3A_62 = arith.constant 0 : i32
        %dma_wait3A_63 = tpu.memref_slice %arg11[%mul3A_53, %dma_wait3A_62] : memref<10240x128xf32, #tpu.memory_space<vmem_shared>> -> memref<640x128xf32, #tpu.memory_space<vmem_shared>>
        tpu.wait_dma2 semaphore(%run_scoped3A : memref<!tpu.dma_semaphore, #tpu.memory_space<semaphore_mem>>) src(%dma_wait3A_63 : memref<640x128xf32, #tpu.memory_space<vmem_shared>>) dst(%dma_wait3A_61 : memref<640x128xf32, #tpu.memory_space<hbm>>)
        tpu.yield
      }) : () -> ()
    } else {
    }
    return
  }
}

#map = affine_map<(d0, d1) -> (0, 0)>
#map1 = affine_map<(d0, d1) -> (0)>
module attributes {stable_mosaic.version = 14 : i64} {
  func.func @deg_kernel(%arg0: i32, %arg1: i32, %arg2: memref<1280x128xi32, #tpu.memory_space<hbm>>, %arg3: memref<10240xf32, #tpu.memory_space<hbm>>, %arg4: memref<10240xf32, #tpu.memory_space<hbm>>, %arg5: memref<40x128xi32, #tpu.memory_space<vmem>>, %arg6: memref<128xf32, #tpu.memory_space<vmem>>, %arg7: memref<640xf32, #tpu.memory_space<vmem>>, %arg8: memref<10240xf32, #tpu.memory_space<vmem_shared>>, %arg9: memref<!tpu.dma_semaphore, #tpu.memory_space<semaphore_mem>>, %arg10: memref<!tpu.dma_semaphore, #tpu.memory_space<semaphore_mem>>) attributes {dimension_semantics = [#tpu.dimension_semantics<core_parallel>, #tpu.dimension_semantics<subcore_parallel>], iteration_bounds = array<i64: 2, 16>, scalar_prefetch = 0 : i64, scratch_operands = 6 : i64, tpu.core_type = #tpu.core_type<sc_vector_subcore>, window_params = [{transform_indices = #map}, {transform_indices = #map1}, {transform_indices = #map1}]} {
    %scan3A = arith.constant 0 : i32
    %scan3A_0 = arith.constant 0 : i32
    %scan3A_1 = arith.constant 8 : i32
    %scan3A_2 = arith.addi %scan3A_0, %scan3A_1 : i32
    %scan3A_3 = arith.constant 1 : i32
    scf.for %scan3A_35 = %scan3A_0 to %scan3A_2 step %scan3A_3  : i32 {
      %broadcast_in_dim3A = arith.constant 1.000000e+00 : f32
      %broadcast_in_dim3A_36 = vector.broadcast %broadcast_in_dim3A : f32 to vector<16xf32>
      %mul3A_37 = arith.constant 16 : i32
      %mul3A_38 = arith.muli %scan3A_35, %mul3A_37 : i32
      %swap3A = arith.index_cast %mul3A_38 : i32 to index
      %swap3A_39 = tpu.vector_load %arg6[%swap3A] {strides = array<i32>} : memref<128xf32, #tpu.memory_space<vmem>>, vector<16xf32>,
      %swap3A_40 = vector.shape_cast %swap3A_39 : vector<16xf32> to vector<16xf32>
      %swap3A_41 = vector.shape_cast %broadcast_in_dim3A_36 : vector<16xf32> to vector<16xf32>
      tpu.vector_store %arg6[%swap3A], %swap3A_41 {strides = array<i32>} : memref<128xf32, #tpu.memory_space<vmem>>, vector<16xf32>,
    }
    %scan3A_4 = arith.constant 8 : i32
    %scan3A_5 = arith.constant 0 : i32
    %scan3A_6 = arith.constant 0 : i32
    %scan3A_7 = arith.constant 40 : i32
    %scan3A_8 = arith.addi %scan3A_6, %scan3A_7 : i32
    %scan3A_9 = arith.constant 1 : i32
    scf.for %scan3A_35 = %scan3A_6 to %scan3A_8 step %scan3A_9  : i32 {
      %broadcast_in_dim3A = arith.constant 0.000000e+00 : f32
      %broadcast_in_dim3A_36 = vector.broadcast %broadcast_in_dim3A : f32 to vector<16xf32>
      %mul3A_37 = arith.constant 16 : i32
      %mul3A_38 = arith.muli %scan3A_35, %mul3A_37 : i32
      %swap3A = arith.index_cast %mul3A_38 : i32 to index
      %swap3A_39 = tpu.vector_load %arg7[%swap3A] {strides = array<i32>} : memref<640xf32, #tpu.memory_space<vmem>>, vector<16xf32>,
      %swap3A_40 = vector.shape_cast %swap3A_39 : vector<16xf32> to vector<16xf32>
      %swap3A_41 = vector.shape_cast %broadcast_in_dim3A_36 : vector<16xf32> to vector<16xf32>
      tpu.vector_store %arg7[%swap3A], %swap3A_41 {strides = array<i32>} : memref<640xf32, #tpu.memory_space<vmem>>, vector<16xf32>,
    }
    %scan3A_10 = arith.constant 40 : i32
    %mul3A = arith.constant 640 : i32
    %mul3A_11 = arith.muli %arg0, %mul3A : i32
    %mul3A_12 = arith.constant 40 : i32
    %mul3A_13 = arith.muli %arg1, %mul3A_12 : i32
    %add3A = arith.addi %mul3A_11, %mul3A_13 : i32
    "tpu.region"() ({
      %run_scoped3A = tpu.sem_alloc : memref<!tpu.dma_semaphore, #tpu.memory_space<semaphore_mem>>
      %dma_start3A_35 = arith.constant 0 : i32
      %dma_start3A_36 = tpu.memref_slice %arg2[%add3A, %dma_start3A_35] : memref<1280x128xi32, #tpu.memory_space<hbm>> -> memref<40x128xi32, #tpu.memory_space<hbm>>
      %dma_start3A_37 = arith.constant 0 : i32
      %dma_start3A_38 = tpu.memref_slice %arg2[%add3A, %dma_start3A_37] : memref<1280x128xi32, #tpu.memory_space<hbm>> -> memref<40x128xi32, #tpu.memory_space<hbm>>
      tpu.enqueue_dma source(%dma_start3A_38 : memref<40x128xi32, #tpu.memory_space<hbm>>) target(%arg5 : memref<40x128xi32, #tpu.memory_space<vmem>>) target_semaphore(%run_scoped3A : memref<!tpu.dma_semaphore, #tpu.memory_space<semaphore_mem>>)
      %dma_wait3A = arith.constant 0 : i32
      %dma_wait3A_39 = tpu.memref_slice %arg2[%add3A, %dma_wait3A] : memref<1280x128xi32, #tpu.memory_space<hbm>> -> memref<40x128xi32, #tpu.memory_space<hbm>>
      %dma_wait3A_40 = arith.constant 0 : i32
      %dma_wait3A_41 = tpu.memref_slice %arg2[%add3A, %dma_wait3A_40] : memref<1280x128xi32, #tpu.memory_space<hbm>> -> memref<40x128xi32, #tpu.memory_space<hbm>>
      tpu.wait_dma2 semaphore(%run_scoped3A : memref<!tpu.dma_semaphore, #tpu.memory_space<semaphore_mem>>) src(%dma_wait3A_41 : memref<40x128xi32, #tpu.memory_space<hbm>>) dst(%arg5 : memref<40x128xi32, #tpu.memory_space<vmem>>)
      tpu.yield
    }) : () -> ()
    %mul3A_14 = arith.constant 640 : i32
    %mul3A_15 = arith.muli %arg1, %mul3A_14 : i32
    "tpu.region"() ({
      %run_scoped3A = tpu.sem_alloc : memref<!tpu.dma_semaphore, #tpu.memory_space<semaphore_mem>>
      %dma_start3A_35 = tpu.memref_slice %arg8[%mul3A_15] : memref<10240xf32, #tpu.memory_space<vmem_shared>> -> memref<640xf32, #tpu.memory_space<vmem_shared>>
      %dma_start3A_36 = tpu.memref_slice %arg8[%mul3A_15] : memref<10240xf32, #tpu.memory_space<vmem_shared>> -> memref<640xf32, #tpu.memory_space<vmem_shared>>
      tpu.enqueue_dma source(%arg7 : memref<640xf32, #tpu.memory_space<vmem>>) target(%dma_start3A_36 : memref<640xf32, #tpu.memory_space<vmem_shared>>) target_semaphore(%run_scoped3A : memref<!tpu.dma_semaphore, #tpu.memory_space<semaphore_mem>>)
      %dma_wait3A = tpu.memref_slice %arg8[%mul3A_15] : memref<10240xf32, #tpu.memory_space<vmem_shared>> -> memref<640xf32, #tpu.memory_space<vmem_shared>>
      %dma_wait3A_37 = tpu.memref_slice %arg8[%mul3A_15] : memref<10240xf32, #tpu.memory_space<vmem_shared>> -> memref<640xf32, #tpu.memory_space<vmem_shared>>
      tpu.wait_dma2 semaphore(%run_scoped3A : memref<!tpu.dma_semaphore, #tpu.memory_space<semaphore_mem>>) src(%arg7 : memref<640xf32, #tpu.memory_space<vmem>>) dst(%dma_wait3A_37 : memref<640xf32, #tpu.memory_space<vmem_shared>>)
      tpu.yield
    }) : () -> ()
    %barrier3A = arith.constant 0 : index
    tpu.barrier barrier_id(%barrier3A)
    %dma_start3A = arith.constant 0 : i32
    %dma_start3A_16 = arith.constant 0 : i32
    %dma_start3A_17 = tpu.memref_slice %arg5[%dma_start3A, %dma_start3A_16] : memref<40x128xi32, #tpu.memory_space<vmem>> -> memref<1x128xi32, #tpu.memory_space<vmem>>
    %dma_start3A_18 = tpu.memref_squeeze %dma_start3A_17 : memref<1x128xi32, #tpu.memory_space<vmem>> -> memref<128xi32, #tpu.memory_space<vmem>>
    %dma_start3A_19 = arith.constant 0 : i32
    %dma_start3A_20 = tpu.memref_slice %arg8[%dma_start3A_19] : memref<10240xf32, #tpu.memory_space<vmem_shared>> -> memref<10240xf32, #tpu.memory_space<vmem_shared>>
    tpu.enqueue_indirect_dma source(%arg6 : memref<128xf32, #tpu.memory_space<vmem>>) target(%dma_start3A_20 : memref<10240xf32, #tpu.memory_space<vmem_shared>>) offsets(%dma_start3A_18 : memref<128xi32, #tpu.memory_space<vmem>>) semaphore(%arg9 : memref<!tpu.dma_semaphore, #tpu.memory_space<semaphore_mem>>) {add = true}
    %scan3A_21 = arith.constant 0 : i32
    %scan3A_22 = arith.constant 0 : i32
    %scan3A_23 = arith.constant 20 : i32
    %scan3A_24 = arith.addi %scan3A_22, %scan3A_23 : i32
    %scan3A_25 = arith.constant 1 : i32
    scf.for %scan3A_35 = %scan3A_22 to %scan3A_24 step %scan3A_25  : i32 {
      %mul3A_36 = arith.constant 2 : i32
      %mul3A_37 = arith.muli %mul3A_36, %scan3A_35 : i32
      %add3A_38 = arith.constant 1 : i32
      %add3A_39 = arith.addi %mul3A_37, %add3A_38 : i32
      %dma_start3A_40 = arith.constant 0 : i32
      %dma_start3A_41 = tpu.memref_slice %arg5[%add3A_39, %dma_start3A_40] : memref<40x128xi32, #tpu.memory_space<vmem>> -> memref<1x128xi32, #tpu.memory_space<vmem>>
      %dma_start3A_42 = tpu.memref_squeeze %dma_start3A_41 : memref<1x128xi32, #tpu.memory_space<vmem>> -> memref<128xi32, #tpu.memory_space<vmem>>
      %dma_start3A_43 = arith.constant 0 : i32
      %dma_start3A_44 = tpu.memref_slice %arg8[%dma_start3A_43] : memref<10240xf32, #tpu.memory_space<vmem_shared>> -> memref<10240xf32, #tpu.memory_space<vmem_shared>>
      tpu.enqueue_indirect_dma source(%arg6 : memref<128xf32, #tpu.memory_space<vmem>>) target(%dma_start3A_44 : memref<10240xf32, #tpu.memory_space<vmem_shared>>) offsets(%dma_start3A_42 : memref<128xi32, #tpu.memory_space<vmem>>) semaphore(%arg10 : memref<!tpu.dma_semaphore, #tpu.memory_space<semaphore_mem>>) {add = true}
      %dma_wait3A = arith.constant 0 : i32
      %dma_wait3A_45 = tpu.memref_slice %arg5[%mul3A_37, %dma_wait3A] : memref<40x128xi32, #tpu.memory_space<vmem>> -> memref<1x128xi32, #tpu.memory_space<vmem>>
      %dma_wait3A_46 = tpu.memref_squeeze %dma_wait3A_45 : memref<1x128xi32, #tpu.memory_space<vmem>> -> memref<128xi32, #tpu.memory_space<vmem>>
      %dma_wait3A_47 = arith.constant 0 : i32
      %dma_wait3A_48 = tpu.memref_slice %arg8[%dma_wait3A_47] : memref<10240xf32, #tpu.memory_space<vmem_shared>> -> memref<10240xf32, #tpu.memory_space<vmem_shared>>
      tpu.wait_indirect_dma semaphore(%arg9 : memref<!tpu.dma_semaphore, #tpu.memory_space<semaphore_mem>>) src(%arg6 : memref<128xf32, #tpu.memory_space<vmem>>) dst(%dma_wait3A_48 : memref<10240xf32, #tpu.memory_space<vmem_shared>>)
      %lt3A = arith.constant 19 : i32
      %lt3A_49 = arith.cmpi slt, %scan3A_35, %lt3A : i32
      %convert_element_type3A_50 = arith.extui %lt3A_49 : i1 to i32
      %cond3A_51 = arith.constant 0 : i32
      %cond3A_52 = arith.cmpi ne, %convert_element_type3A_50, %cond3A_51 : i32
      scf.if %cond3A_52 {
        %add3A_58 = arith.constant 2 : i32
        %add3A_59 = arith.addi %mul3A_37, %add3A_58 : i32
        %dma_start3A_60 = arith.constant 0 : i32
        %dma_start3A_61 = tpu.memref_slice %arg5[%add3A_59, %dma_start3A_60] : memref<40x128xi32, #tpu.memory_space<vmem>> -> memref<1x128xi32, #tpu.memory_space<vmem>>
        %dma_start3A_62 = tpu.memref_squeeze %dma_start3A_61 : memref<1x128xi32, #tpu.memory_space<vmem>> -> memref<128xi32, #tpu.memory_space<vmem>>
        %dma_start3A_63 = arith.constant 0 : i32
        %dma_start3A_64 = tpu.memref_slice %arg8[%dma_start3A_63] : memref<10240xf32, #tpu.memory_space<vmem_shared>> -> memref<10240xf32, #tpu.memory_space<vmem_shared>>
        tpu.enqueue_indirect_dma source(%arg6 : memref<128xf32, #tpu.memory_space<vmem>>) target(%dma_start3A_64 : memref<10240xf32, #tpu.memory_space<vmem_shared>>) offsets(%dma_start3A_62 : memref<128xi32, #tpu.memory_space<vmem>>) semaphore(%arg9 : memref<!tpu.dma_semaphore, #tpu.memory_space<semaphore_mem>>) {add = true}
      } else {
      }
      %dma_wait3A_53 = arith.constant 0 : i32
      %dma_wait3A_54 = tpu.memref_slice %arg5[%add3A_39, %dma_wait3A_53] : memref<40x128xi32, #tpu.memory_space<vmem>> -> memref<1x128xi32, #tpu.memory_space<vmem>>
      %dma_wait3A_55 = tpu.memref_squeeze %dma_wait3A_54 : memref<1x128xi32, #tpu.memory_space<vmem>> -> memref<128xi32, #tpu.memory_space<vmem>>
      %dma_wait3A_56 = arith.constant 0 : i32
      %dma_wait3A_57 = tpu.memref_slice %arg8[%dma_wait3A_56] : memref<10240xf32, #tpu.memory_space<vmem_shared>> -> memref<10240xf32, #tpu.memory_space<vmem_shared>>
      tpu.wait_indirect_dma semaphore(%arg10 : memref<!tpu.dma_semaphore, #tpu.memory_space<semaphore_mem>>) src(%arg6 : memref<128xf32, #tpu.memory_space<vmem>>) dst(%dma_wait3A_57 : memref<10240xf32, #tpu.memory_space<vmem_shared>>)
    }
    %scan3A_26 = arith.constant 20 : i32
    %barrier3A_27 = arith.constant 0 : index
    tpu.barrier barrier_id(%barrier3A_27)
    %eq3A = arith.constant 0 : i32
    %eq3A_28 = arith.cmpi eq, %arg0, %eq3A : i32
    %convert_element_type3A = arith.extui %eq3A_28 : i1 to i32
    %cond3A = arith.constant 0 : i32
    %cond3A_29 = arith.cmpi ne, %convert_element_type3A, %cond3A : i32
    scf.if %cond3A_29 {
      %mul3A_35 = arith.constant 640 : i32
      %mul3A_36 = arith.muli %arg1, %mul3A_35 : i32
      %mul3A_37 = arith.constant 640 : i32
      %mul3A_38 = arith.muli %arg1, %mul3A_37 : i32
      "tpu.region"() ({
        %run_scoped3A = tpu.sem_alloc : memref<!tpu.dma_semaphore, #tpu.memory_space<semaphore_mem>>
        %dma_start3A_39 = tpu.memref_slice %arg3[%mul3A_38] : memref<10240xf32, #tpu.memory_space<hbm>> -> memref<640xf32, #tpu.memory_space<hbm>>
        %dma_start3A_40 = tpu.memref_slice %arg8[%mul3A_36] : memref<10240xf32, #tpu.memory_space<vmem_shared>> -> memref<640xf32, #tpu.memory_space<vmem_shared>>
        tpu.enqueue_dma source(%dma_start3A_40 : memref<640xf32, #tpu.memory_space<vmem_shared>>) target(%dma_start3A_39 : memref<640xf32, #tpu.memory_space<hbm>>) target_semaphore(%run_scoped3A : memref<!tpu.dma_semaphore, #tpu.memory_space<semaphore_mem>>)
        %dma_wait3A = tpu.memref_slice %arg3[%mul3A_38] : memref<10240xf32, #tpu.memory_space<hbm>> -> memref<640xf32, #tpu.memory_space<hbm>>
        %dma_wait3A_41 = tpu.memref_slice %arg8[%mul3A_36] : memref<10240xf32, #tpu.memory_space<vmem_shared>> -> memref<640xf32, #tpu.memory_space<vmem_shared>>
        tpu.wait_dma2 semaphore(%run_scoped3A : memref<!tpu.dma_semaphore, #tpu.memory_space<semaphore_mem>>) src(%dma_wait3A_41 : memref<640xf32, #tpu.memory_space<vmem_shared>>) dst(%dma_wait3A : memref<640xf32, #tpu.memory_space<hbm>>)
        tpu.yield
      }) : () -> ()
    } else {
    }
    %eq3A_30 = arith.constant 1 : i32
    %eq3A_31 = arith.cmpi eq, %arg0, %eq3A_30 : i32
    %convert_element_type3A_32 = arith.extui %eq3A_31 : i1 to i32
    %cond3A_33 = arith.constant 0 : i32
    %cond3A_34 = arith.cmpi ne, %convert_element_type3A_32, %cond3A_33 : i32
    scf.if %cond3A_34 {
      %mul3A_35 = arith.constant 640 : i32
      %mul3A_36 = arith.muli %arg1, %mul3A_35 : i32
      %mul3A_37 = arith.constant 640 : i32
      %mul3A_38 = arith.muli %arg1, %mul3A_37 : i32
      "tpu.region"() ({
        %run_scoped3A = tpu.sem_alloc : memref<!tpu.dma_semaphore, #tpu.memory_space<semaphore_mem>>
        %dma_start3A_39 = tpu.memref_slice %arg4[%mul3A_38] : memref<10240xf32, #tpu.memory_space<hbm>> -> memref<640xf32, #tpu.memory_space<hbm>>
        %dma_start3A_40 = tpu.memref_slice %arg8[%mul3A_36] : memref<10240xf32, #tpu.memory_space<vmem_shared>> -> memref<640xf32, #tpu.memory_space<vmem_shared>>
        tpu.enqueue_dma source(%dma_start3A_40 : memref<640xf32, #tpu.memory_space<vmem_shared>>) target(%dma_start3A_39 : memref<640xf32, #tpu.memory_space<hbm>>) target_semaphore(%run_scoped3A : memref<!tpu.dma_semaphore, #tpu.memory_space<semaphore_mem>>)
        %dma_wait3A = tpu.memref_slice %arg4[%mul3A_38] : memref<10240xf32, #tpu.memory_space<hbm>> -> memref<640xf32, #tpu.memory_space<hbm>>
        %dma_wait3A_41 = tpu.memref_slice %arg8[%mul3A_36] : memref<10240xf32, #tpu.memory_space<vmem_shared>> -> memref<640xf32, #tpu.memory_space<vmem_shared>>
        tpu.wait_dma2 semaphore(%run_scoped3A : memref<!tpu.dma_semaphore, #tpu.memory_space<semaphore_mem>>) src(%dma_wait3A_41 : memref<640xf32, #tpu.memory_space<vmem_shared>>) dst(%dma_wait3A : memref<640xf32, #tpu.memory_space<hbm>>)
        tpu.yield
      }) : () -> ()
    } else {
    }
    return
  }
}

#map = affine_map<(d0, d1) -> (0, 0)>
module attributes {stable_mosaic.version = 14 : i64} {
  func.func @agg_kernel(%arg0: i32, %arg1: i32, %arg2: memref<10240x128xf32, #tpu.memory_space<hbm>>, %arg3: memref<1280x128xi32, #tpu.memory_space<hbm>>, %arg4: memref<1280x128xi32, #tpu.memory_space<hbm>>, %arg5: memref<10240x128xf32, #tpu.memory_space<hbm>>, %arg6: memref<10240x128xf32, #tpu.memory_space<hbm>>, %arg7: memref<40x128xi32, #tpu.memory_space<vmem>>, %arg8: memref<40x128xi32, #tpu.memory_space<vmem>>, %arg9: memref<128x128xf32, #tpu.memory_space<vmem>>, %arg10: memref<128x128xf32, #tpu.memory_space<vmem>>, %arg11: memref<10240x128xf32, #tpu.memory_space<vmem_shared>>, %arg12: memref<!tpu.dma_semaphore, #tpu.memory_space<semaphore_mem>>, %arg13: memref<!tpu.dma_semaphore, #tpu.memory_space<semaphore_mem>>, %arg14: memref<!tpu.dma_semaphore, #tpu.memory_space<semaphore_mem>>, %arg15: memref<!tpu.dma_semaphore, #tpu.memory_space<semaphore_mem>>) attributes {dimension_semantics = [#tpu.dimension_semantics<core_parallel>, #tpu.dimension_semantics<subcore_parallel>], iteration_bounds = array<i64: 2, 16>, scalar_prefetch = 0 : i64, scratch_operands = 9 : i64, tpu.core_type = #tpu.core_type<sc_vector_subcore>, window_params = [{transform_indices = #map}, {transform_indices = #map}, {transform_indices = #map}, {transform_indices = #map}, {transform_indices = #map}]} {
    %scan3A = arith.constant 0 : i32
    %scan3A_0 = arith.constant 0 : i32
    %scan3A_1 = arith.constant 1024 : i32
    %scan3A_2 = arith.addi %scan3A_0, %scan3A_1 : i32
    %scan3A_3 = arith.constant 1 : i32
    scf.for %scan3A_52 = %scan3A_0 to %scan3A_2 step %scan3A_3  : i32 {
      %broadcast_in_dim3A = arith.constant 0.000000e+00 : f32
      %broadcast_in_dim3A_53 = vector.broadcast %broadcast_in_dim3A : f32 to vector<16xf32>
      %jit3A = arith.constant 8 : i32
      %div3A = arith.divsi %scan3A_52, %jit3A : i32
      %sign3A = arith.constant 0 : i32
      %sign3A_54 = arith.cmpi sgt, %scan3A_52, %sign3A : i32
      %sign3A_55 = arith.extui %sign3A_54 : i1 to i32
      %sign3A_56 = arith.constant 0 : i32
      %sign3A_57 = arith.cmpi slt, %scan3A_52, %sign3A_56 : i32
      %sign3A_58 = arith.extui %sign3A_57 : i1 to i32
      %sign3A_59 = arith.subi %sign3A_55, %sign3A_58 : i32
      %sign3A_60 = arith.constant 0 : i32
      %sign3A_61 = arith.cmpi sgt, %jit3A, %sign3A_60 : i32
      %sign3A_62 = arith.extui %sign3A_61 : i1 to i32
      %sign3A_63 = arith.constant 0 : i32
      %sign3A_64 = arith.cmpi slt, %jit3A, %sign3A_63 : i32
      %sign3A_65 = arith.extui %sign3A_64 : i1 to i32
      %sign3A_66 = arith.subi %sign3A_62, %sign3A_65 : i32
      %ne3A = arith.cmpi ne, %sign3A_59, %sign3A_66 : i32
      %rem3A = arith.remsi %scan3A_52, %jit3A : i32
      %ne3A_67 = arith.constant 0 : i32
      %ne3A_68 = arith.cmpi ne, %rem3A, %ne3A_67 : i32
      %and3A = arith.andi %ne3A, %ne3A_68 : i1
      %sub3A = arith.constant 1 : i32
      %sub3A_69 = arith.subi %div3A, %sub3A : i32
      %select_n3A = arith.select %and3A, %sub3A_69, %div3A : i32
      %jit3A_70 = arith.constant 8 : i32
      %eq3A_71 = arith.constant 0 : i32
      %eq3A_72 = arith.cmpi eq, %jit3A_70, %eq3A_71 : i32
      %jit3A_73 = arith.constant 1 : i32
      %select_n3A_74 = arith.select %eq3A_72, %jit3A_73, %jit3A_70 : i32
      %rem3A_75 = arith.remsi %scan3A_52, %select_n3A_74 : i32
      %ne3A_76 = arith.constant 0 : i32
      %ne3A_77 = arith.cmpi ne, %rem3A_75, %ne3A_76 : i32
      %lt3A = arith.constant 0 : i32
      %lt3A_78 = arith.cmpi slt, %rem3A_75, %lt3A : i32
      %lt3A_79 = arith.constant 0 : i32
      %lt3A_80 = arith.cmpi slt, %select_n3A_74, %lt3A_79 : i32
      %ne3A_81 = arith.xori %lt3A_78, %lt3A_80 : i1
      %and3A_82 = arith.andi %ne3A_81, %ne3A_77 : i1
      %add3A_83 = arith.addi %rem3A_75, %select_n3A_74 : i32
      %select_n3A_84 = arith.select %and3A_82, %add3A_83, %rem3A_75 : i32
      %mul3A_85 = arith.constant 16 : i32
      %mul3A_86 = arith.muli %select_n3A_84, %mul3A_85 : i32
      %swap3A = arith.index_cast %select_n3A : i32 to index
      %swap3A_87 = arith.index_cast %mul3A_86 : i32 to index
      %swap3A_88 = tpu.vector_load %arg9[%swap3A, %swap3A_87] {strides = array<i32>} : memref<128x128xf32, #tpu.memory_space<vmem>>, vector<1x16xf32>,
      %swap3A_89 = vector.shape_cast %swap3A_88 : vector<1x16xf32> to vector<16xf32>
      %swap3A_90 = vector.shape_cast %broadcast_in_dim3A_53 : vector<16xf32> to vector<1x16xf32>
      tpu.vector_store %arg9[%swap3A, %swap3A_87], %swap3A_90 {strides = array<i32>} : memref<128x128xf32, #tpu.memory_space<vmem>>, vector<1x16xf32>,
    }
    %scan3A_4 = arith.constant 1024 : i32
    %scan3A_5 = arith.constant 0 : i32
    %scan3A_6 = arith.constant 0 : i32
    %scan3A_7 = arith.constant 5 : i32
    %scan3A_8 = arith.addi %scan3A_6, %scan3A_7 : i32
    %scan3A_9 = arith.constant 1 : i32
    scf.for %scan3A_52 = %scan3A_6 to %scan3A_8 step %scan3A_9  : i32 {
      %mul3A_53 = arith.constant 640 : i32
      %mul3A_54 = arith.muli %arg1, %mul3A_53 : i32
      %mul3A_55 = arith.constant 128 : i32
      %mul3A_56 = arith.muli %scan3A_52, %mul3A_55 : i32
      %add3A_57 = arith.addi %mul3A_54, %mul3A_56 : i32
      "tpu.region"() ({
        %run_scoped3A = tpu.sem_alloc : memref<!tpu.dma_semaphore, #tpu.memory_space<semaphore_mem>>
        %dma_start3A_58 = arith.constant 0 : i32
        %dma_start3A_59 = tpu.memref_slice %arg11[%add3A_57, %dma_start3A_58] : memref<10240x128xf32, #tpu.memory_space<vmem_shared>> -> memref<128x128xf32, #tpu.memory_space<vmem_shared>>
        %dma_start3A_60 = arith.constant 0 : i32
        %dma_start3A_61 = tpu.memref_slice %arg11[%add3A_57, %dma_start3A_60] : memref<10240x128xf32, #tpu.memory_space<vmem_shared>> -> memref<128x128xf32, #tpu.memory_space<vmem_shared>>
        tpu.enqueue_dma source(%arg9 : memref<128x128xf32, #tpu.memory_space<vmem>>) target(%dma_start3A_61 : memref<128x128xf32, #tpu.memory_space<vmem_shared>>) target_semaphore(%run_scoped3A : memref<!tpu.dma_semaphore, #tpu.memory_space<semaphore_mem>>)
        %dma_wait3A_62 = arith.constant 0 : i32
        %dma_wait3A_63 = tpu.memref_slice %arg11[%add3A_57, %dma_wait3A_62] : memref<10240x128xf32, #tpu.memory_space<vmem_shared>> -> memref<128x128xf32, #tpu.memory_space<vmem_shared>>
        %dma_wait3A_64 = arith.constant 0 : i32
        %dma_wait3A_65 = tpu.memref_slice %arg11[%add3A_57, %dma_wait3A_64] : memref<10240x128xf32, #tpu.memory_space<vmem_shared>> -> memref<128x128xf32, #tpu.memory_space<vmem_shared>>
        tpu.wait_dma2 semaphore(%run_scoped3A : memref<!tpu.dma_semaphore, #tpu.memory_space<semaphore_mem>>) src(%arg9 : memref<128x128xf32, #tpu.memory_space<vmem>>) dst(%dma_wait3A_65 : memref<128x128xf32, #tpu.memory_space<vmem_shared>>)
        tpu.yield
      }) : () -> ()
    }
    %scan3A_10 = arith.constant 5 : i32
    %mul3A = arith.constant 640 : i32
    %mul3A_11 = arith.muli %arg0, %mul3A : i32
    %mul3A_12 = arith.constant 40 : i32
    %mul3A_13 = arith.muli %arg1, %mul3A_12 : i32
    %add3A = arith.addi %mul3A_11, %mul3A_13 : i32
    %mul3A_14 = arith.constant 640 : i32
    %mul3A_15 = arith.muli %arg0, %mul3A_14 : i32
    %mul3A_16 = arith.constant 40 : i32
    %mul3A_17 = arith.muli %arg1, %mul3A_16 : i32
    %add3A_18 = arith.addi %mul3A_15, %mul3A_17 : i32
    "tpu.region"() ({
      %run_scoped3A = tpu.sem_alloc : memref<!tpu.dma_semaphore, #tpu.memory_space<semaphore_mem>>
      %dma_start3A_52 = arith.constant 0 : i32
      %dma_start3A_53 = tpu.memref_slice %arg3[%add3A, %dma_start3A_52] : memref<1280x128xi32, #tpu.memory_space<hbm>> -> memref<40x128xi32, #tpu.memory_space<hbm>>
      %dma_start3A_54 = arith.constant 0 : i32
      %dma_start3A_55 = tpu.memref_slice %arg3[%add3A, %dma_start3A_54] : memref<1280x128xi32, #tpu.memory_space<hbm>> -> memref<40x128xi32, #tpu.memory_space<hbm>>
      tpu.enqueue_dma source(%dma_start3A_55 : memref<40x128xi32, #tpu.memory_space<hbm>>) target(%arg7 : memref<40x128xi32, #tpu.memory_space<vmem>>) target_semaphore(%run_scoped3A : memref<!tpu.dma_semaphore, #tpu.memory_space<semaphore_mem>>)
      %dma_wait3A_56 = arith.constant 0 : i32
      %dma_wait3A_57 = tpu.memref_slice %arg3[%add3A, %dma_wait3A_56] : memref<1280x128xi32, #tpu.memory_space<hbm>> -> memref<40x128xi32, #tpu.memory_space<hbm>>
      %dma_wait3A_58 = arith.constant 0 : i32
      %dma_wait3A_59 = tpu.memref_slice %arg3[%add3A, %dma_wait3A_58] : memref<1280x128xi32, #tpu.memory_space<hbm>> -> memref<40x128xi32, #tpu.memory_space<hbm>>
      tpu.wait_dma2 semaphore(%run_scoped3A : memref<!tpu.dma_semaphore, #tpu.memory_space<semaphore_mem>>) src(%dma_wait3A_59 : memref<40x128xi32, #tpu.memory_space<hbm>>) dst(%arg7 : memref<40x128xi32, #tpu.memory_space<vmem>>)
      tpu.yield
    }) : () -> ()
    "tpu.region"() ({
      %run_scoped3A = tpu.sem_alloc : memref<!tpu.dma_semaphore, #tpu.memory_space<semaphore_mem>>
      %dma_start3A_52 = arith.constant 0 : i32
      %dma_start3A_53 = tpu.memref_slice %arg4[%add3A_18, %dma_start3A_52] : memref<1280x128xi32, #tpu.memory_space<hbm>> -> memref<40x128xi32, #tpu.memory_space<hbm>>
      %dma_start3A_54 = arith.constant 0 : i32
      %dma_start3A_55 = tpu.memref_slice %arg4[%add3A_18, %dma_start3A_54] : memref<1280x128xi32, #tpu.memory_space<hbm>> -> memref<40x128xi32, #tpu.memory_space<hbm>>
      tpu.enqueue_dma source(%dma_start3A_55 : memref<40x128xi32, #tpu.memory_space<hbm>>) target(%arg8 : memref<40x128xi32, #tpu.memory_space<vmem>>) target_semaphore(%run_scoped3A : memref<!tpu.dma_semaphore, #tpu.memory_space<semaphore_mem>>)
      %dma_wait3A_56 = arith.constant 0 : i32
      %dma_wait3A_57 = tpu.memref_slice %arg4[%add3A_18, %dma_wait3A_56] : memref<1280x128xi32, #tpu.memory_space<hbm>> -> memref<40x128xi32, #tpu.memory_space<hbm>>
      %dma_wait3A_58 = arith.constant 0 : i32
      %dma_wait3A_59 = tpu.memref_slice %arg4[%add3A_18, %dma_wait3A_58] : memref<1280x128xi32, #tpu.memory_space<hbm>> -> memref<40x128xi32, #tpu.memory_space<hbm>>
      tpu.wait_dma2 semaphore(%run_scoped3A : memref<!tpu.dma_semaphore, #tpu.memory_space<semaphore_mem>>) src(%dma_wait3A_59 : memref<40x128xi32, #tpu.memory_space<hbm>>) dst(%arg8 : memref<40x128xi32, #tpu.memory_space<vmem>>)
      tpu.yield
    }) : () -> ()
    %barrier3A = arith.constant 0 : index
    tpu.barrier barrier_id(%barrier3A)
    %dma_start3A = arith.constant 0 : i32
    %dma_start3A_19 = arith.constant 0 : i32
    %dma_start3A_20 = tpu.memref_slice %arg7[%dma_start3A, %dma_start3A_19] : memref<40x128xi32, #tpu.memory_space<vmem>> -> memref<1x128xi32, #tpu.memory_space<vmem>>
    %dma_start3A_21 = tpu.memref_squeeze %dma_start3A_20 : memref<1x128xi32, #tpu.memory_space<vmem>> -> memref<128xi32, #tpu.memory_space<vmem>>
    %dma_start3A_22 = arith.constant 0 : i32
    %dma_start3A_23 = arith.constant 0 : i32
    %dma_start3A_24 = tpu.memref_slice %arg2[%dma_start3A_22, %dma_start3A_23] : memref<10240x128xf32, #tpu.memory_space<hbm>> -> memref<10240x128xf32, #tpu.memory_space<hbm>>
    tpu.enqueue_indirect_dma source(%dma_start3A_24 : memref<10240x128xf32, #tpu.memory_space<hbm>>) target(%arg9 : memref<128x128xf32, #tpu.memory_space<vmem>>) offsets(%dma_start3A_21 : memref<128xi32, #tpu.memory_space<vmem>>) semaphore(%arg12 : memref<!tpu.dma_semaphore, #tpu.memory_space<semaphore_mem>>)
    %scan3A_25 = arith.constant 0 : i32
    %scan3A_26 = arith.constant 0 : i32
    %scan3A_27 = arith.constant 20 : i32
    %scan3A_28 = arith.addi %scan3A_26, %scan3A_27 : i32
    %scan3A_29 = arith.constant 1 : i32
    scf.for %scan3A_52 = %scan3A_26 to %scan3A_28 step %scan3A_29  : i32 {
      %mul3A_53 = arith.constant 2 : i32
      %mul3A_54 = arith.muli %mul3A_53, %scan3A_52 : i32
      %gt3A = arith.constant 0 : i32
      %gt3A_55 = arith.cmpi sgt, %scan3A_52, %gt3A : i32
      %convert_element_type3A_56 = arith.extui %gt3A_55 : i1 to i32
      %cond3A_57 = arith.constant 0 : i32
      %cond3A_58 = arith.cmpi ne, %convert_element_type3A_56, %cond3A_57 : i32
      scf.if %cond3A_58 {
        %sub3A = arith.constant 1 : i32
        %sub3A_97 = arith.subi %mul3A_54, %sub3A : i32
        %dma_wait3A_98 = arith.constant 0 : i32
        %dma_wait3A_99 = tpu.memref_slice %arg8[%sub3A_97, %dma_wait3A_98] : memref<40x128xi32, #tpu.memory_space<vmem>> -> memref<1x128xi32, #tpu.memory_space<vmem>>
        %dma_wait3A_100 = tpu.memref_squeeze %dma_wait3A_99 : memref<1x128xi32, #tpu.memory_space<vmem>> -> memref<128xi32, #tpu.memory_space<vmem>>
        %dma_wait3A_101 = arith.constant 0 : i32
        %dma_wait3A_102 = arith.constant 0 : i32
        %dma_wait3A_103 = tpu.memref_slice %arg11[%dma_wait3A_101, %dma_wait3A_102] : memref<10240x128xf32, #tpu.memory_space<vmem_shared>> -> memref<10240x128xf32, #tpu.memory_space<vmem_shared>>
        tpu.wait_indirect_dma semaphore(%arg15 : memref<!tpu.dma_semaphore, #tpu.memory_space<semaphore_mem>>) src(%arg10 : memref<128x128xf32, #tpu.memory_space<vmem>>) dst(%dma_wait3A_103 : memref<10240x128xf32, #tpu.memory_space<vmem_shared>>)
      } else {
      }
      %add3A_59 = arith.constant 1 : i32
      %add3A_60 = arith.addi %mul3A_54, %add3A_59 : i32
      %dma_start3A_61 = arith.constant 0 : i32
      %dma_start3A_62 = tpu.memref_slice %arg7[%add3A_60, %dma_start3A_61] : memref<40x128xi32, #tpu.memory_space<vmem>> -> memref<1x128xi32, #tpu.memory_space<vmem>>
      %dma_start3A_63 = tpu.memref_squeeze %dma_start3A_62 : memref<1x128xi32, #tpu.memory_space<vmem>> -> memref<128xi32, #tpu.memory_space<vmem>>
      %dma_start3A_64 = arith.constant 0 : i32
      %dma_start3A_65 = arith.constant 0 : i32
      %dma_start3A_66 = tpu.memref_slice %arg2[%dma_start3A_64, %dma_start3A_65] : memref<10240x128xf32, #tpu.memory_space<hbm>> -> memref<10240x128xf32, #tpu.memory_space<hbm>>
      tpu.enqueue_indirect_dma source(%dma_start3A_66 : memref<10240x128xf32, #tpu.memory_space<hbm>>) target(%arg10 : memref<128x128xf32, #tpu.memory_space<vmem>>) offsets(%dma_start3A_63 : memref<128xi32, #tpu.memory_space<vmem>>) semaphore(%arg13 : memref<!tpu.dma_semaphore, #tpu.memory_space<semaphore_mem>>)
      %dma_wait3A_67 = arith.constant 0 : i32
      %dma_wait3A_68 = tpu.memref_slice %arg7[%mul3A_54, %dma_wait3A_67] : memref<40x128xi32, #tpu.memory_space<vmem>> -> memref<1x128xi32, #tpu.memory_space<vmem>>
      %dma_wait3A_69 = tpu.memref_squeeze %dma_wait3A_68 : memref<1x128xi32, #tpu.memory_space<vmem>> -> memref<128xi32, #tpu.memory_space<vmem>>
      %dma_wait3A_70 = arith.constant 0 : i32
      %dma_wait3A_71 = arith.constant 0 : i32
      %dma_wait3A_72 = tpu.memref_slice %arg2[%dma_wait3A_70, %dma_wait3A_71] : memref<10240x128xf32, #tpu.memory_space<hbm>> -> memref<10240x128xf32, #tpu.memory_space<hbm>>
      tpu.wait_indirect_dma semaphore(%arg12 : memref<!tpu.dma_semaphore, #tpu.memory_space<semaphore_mem>>) src(%dma_wait3A_72 : memref<10240x128xf32, #tpu.memory_space<hbm>>) dst(%arg9 : memref<128x128xf32, #tpu.memory_space<vmem>>)
      %dma_start3A_73 = arith.constant 0 : i32
      %dma_start3A_74 = tpu.memref_slice %arg8[%mul3A_54, %dma_start3A_73] : memref<40x128xi32, #tpu.memory_space<vmem>> -> memref<1x128xi32, #tpu.memory_space<vmem>>
      %dma_start3A_75 = tpu.memref_squeeze %dma_start3A_74 : memref<1x128xi32, #tpu.memory_space<vmem>> -> memref<128xi32, #tpu.memory_space<vmem>>
      %dma_start3A_76 = arith.constant 0 : i32
      %dma_start3A_77 = arith.constant 0 : i32
      %dma_start3A_78 = tpu.memref_slice %arg11[%dma_start3A_76, %dma_start3A_77] : memref<10240x128xf32, #tpu.memory_space<vmem_shared>> -> memref<10240x128xf32, #tpu.memory_space<vmem_shared>>
      tpu.enqueue_indirect_dma source(%arg9 : memref<128x128xf32, #tpu.memory_space<vmem>>) target(%dma_start3A_78 : memref<10240x128xf32, #tpu.memory_space<vmem_shared>>) offsets(%dma_start3A_75 : memref<128xi32, #tpu.memory_space<vmem>>) semaphore(%arg14 : memref<!tpu.dma_semaphore, #tpu.memory_space<semaphore_mem>>) {add = true}
      %lt3A = arith.constant 19 : i32
      %lt3A_79 = arith.cmpi slt, %scan3A_52, %lt3A : i32
      %convert_element_type3A_80 = arith.extui %lt3A_79 : i1 to i32
      %cond3A_81 = arith.constant 0 : i32
      %cond3A_82 = arith.cmpi ne, %convert_element_type3A_80, %cond3A_81 : i32
      scf.if %cond3A_82 {
        %dma_wait3A_97 = arith.constant 0 : i32
        %dma_wait3A_98 = tpu.memref_slice %arg8[%mul3A_54, %dma_wait3A_97] : memref<40x128xi32, #tpu.memory_space<vmem>> -> memref<1x128xi32, #tpu.memory_space<vmem>>
        %dma_wait3A_99 = tpu.memref_squeeze %dma_wait3A_98 : memref<1x128xi32, #tpu.memory_space<vmem>> -> memref<128xi32, #tpu.memory_space<vmem>>
        %dma_wait3A_100 = arith.constant 0 : i32
        %dma_wait3A_101 = arith.constant 0 : i32
        %dma_wait3A_102 = tpu.memref_slice %arg11[%dma_wait3A_100, %dma_wait3A_101] : memref<10240x128xf32, #tpu.memory_space<vmem_shared>> -> memref<10240x128xf32, #tpu.memory_space<vmem_shared>>
        tpu.wait_indirect_dma semaphore(%arg14 : memref<!tpu.dma_semaphore, #tpu.memory_space<semaphore_mem>>) src(%arg9 : memref<128x128xf32, #tpu.memory_space<vmem>>) dst(%dma_wait3A_102 : memref<10240x128xf32, #tpu.memory_space<vmem_shared>>)
        %add3A_103 = arith.constant 2 : i32
        %add3A_104 = arith.addi %mul3A_54, %add3A_103 : i32
        %dma_start3A_105 = arith.constant 0 : i32
        %dma_start3A_106 = tpu.memref_slice %arg7[%add3A_104, %dma_start3A_105] : memref<40x128xi32, #tpu.memory_space<vmem>> -> memref<1x128xi32, #tpu.memory_space<vmem>>
        %dma_start3A_107 = tpu.memref_squeeze %dma_start3A_106 : memref<1x128xi32, #tpu.memory_space<vmem>> -> memref<128xi32, #tpu.memory_space<vmem>>
        %dma_start3A_108 = arith.constant 0 : i32
        %dma_start3A_109 = arith.constant 0 : i32
        %dma_start3A_110 = tpu.memref_slice %arg2[%dma_start3A_108, %dma_start3A_109] : memref<10240x128xf32, #tpu.memory_space<hbm>> -> memref<10240x128xf32, #tpu.memory_space<hbm>>
        tpu.enqueue_indirect_dma source(%dma_start3A_110 : memref<10240x128xf32, #tpu.memory_space<hbm>>) target(%arg9 : memref<128x128xf32, #tpu.memory_space<vmem>>) offsets(%dma_start3A_107 : memref<128xi32, #tpu.memory_space<vmem>>) semaphore(%arg12 : memref<!tpu.dma_semaphore, #tpu.memory_space<semaphore_mem>>)
      } else {
      }
      %dma_wait3A_83 = arith.constant 0 : i32
      %dma_wait3A_84 = tpu.memref_slice %arg7[%add3A_60, %dma_wait3A_83] : memref<40x128xi32, #tpu.memory_space<vmem>> -> memref<1x128xi32, #tpu.memory_space<vmem>>
      %dma_wait3A_85 = tpu.memref_squeeze %dma_wait3A_84 : memref<1x128xi32, #tpu.memory_space<vmem>> -> memref<128xi32, #tpu.memory_space<vmem>>
      %dma_wait3A_86 = arith.constant 0 : i32
      %dma_wait3A_87 = arith.constant 0 : i32
      %dma_wait3A_88 = tpu.memref_slice %arg2[%dma_wait3A_86, %dma_wait3A_87] : memref<10240x128xf32, #tpu.memory_space<hbm>> -> memref<10240x128xf32, #tpu.memory_space<hbm>>
      tpu.wait_indirect_dma semaphore(%arg13 : memref<!tpu.dma_semaphore, #tpu.memory_space<semaphore_mem>>) src(%dma_wait3A_88 : memref<10240x128xf32, #tpu.memory_space<hbm>>) dst(%arg10 : memref<128x128xf32, #tpu.memory_space<vmem>>)
      %add3A_89 = arith.constant 1 : i32
      %add3A_90 = arith.addi %mul3A_54, %add3A_89 : i32
      %dma_start3A_91 = arith.constant 0 : i32
      %dma_start3A_92 = tpu.memref_slice %arg8[%add3A_90, %dma_start3A_91] : memref<40x128xi32, #tpu.memory_space<vmem>> -> memref<1x128xi32, #tpu.memory_space<vmem>>
      %dma_start3A_93 = tpu.memref_squeeze %dma_start3A_92 : memref<1x128xi32, #tpu.memory_space<vmem>> -> memref<128xi32, #tpu.memory_space<vmem>>
      %dma_start3A_94 = arith.constant 0 : i32
      %dma_start3A_95 = arith.constant 0 : i32
      %dma_start3A_96 = tpu.memref_slice %arg11[%dma_start3A_94, %dma_start3A_95] : memref<10240x128xf32, #tpu.memory_space<vmem_shared>> -> memref<10240x128xf32, #tpu.memory_space<vmem_shared>>
      tpu.enqueue_indirect_dma source(%arg10 : memref<128x128xf32, #tpu.memory_space<vmem>>) target(%dma_start3A_96 : memref<10240x128xf32, #tpu.memory_space<vmem_shared>>) offsets(%dma_start3A_93 : memref<128xi32, #tpu.memory_space<vmem>>) semaphore(%arg15 : memref<!tpu.dma_semaphore, #tpu.memory_space<semaphore_mem>>) {add = true}
    }
    %scan3A_30 = arith.constant 20 : i32
    %dma_wait3A = arith.constant 38 : i32
    %dma_wait3A_31 = arith.constant 0 : i32
    %dma_wait3A_32 = tpu.memref_slice %arg8[%dma_wait3A, %dma_wait3A_31] : memref<40x128xi32, #tpu.memory_space<vmem>> -> memref<1x128xi32, #tpu.memory_space<vmem>>
    %dma_wait3A_33 = tpu.memref_squeeze %dma_wait3A_32 : memref<1x128xi32, #tpu.memory_space<vmem>> -> memref<128xi32, #tpu.memory_space<vmem>>
    %dma_wait3A_34 = arith.constant 0 : i32
    %dma_wait3A_35 = arith.constant 0 : i32
    %dma_wait3A_36 = tpu.memref_slice %arg11[%dma_wait3A_34, %dma_wait3A_35] : memref<10240x128xf32, #tpu.memory_space<vmem_shared>> -> memref<10240x128xf32, #tpu.memory_space<vmem_shared>>
    tpu.wait_indirect_dma semaphore(%arg14 : memref<!tpu.dma_semaphore, #tpu.memory_space<semaphore_mem>>) src(%arg9 : memref<128x128xf32, #tpu.memory_space<vmem>>) dst(%dma_wait3A_36 : memref<10240x128xf32, #tpu.memory_space<vmem_shared>>)
    %dma_wait3A_37 = arith.constant 39 : i32
    %dma_wait3A_38 = arith.constant 0 : i32
    %dma_wait3A_39 = tpu.memref_slice %arg8[%dma_wait3A_37, %dma_wait3A_38] : memref<40x128xi32, #tpu.memory_space<vmem>> -> memref<1x128xi32, #tpu.memory_space<vmem>>
    %dma_wait3A_40 = tpu.memref_squeeze %dma_wait3A_39 : memref<1x128xi32, #tpu.memory_space<vmem>> -> memref<128xi32, #tpu.memory_space<vmem>>
    %dma_wait3A_41 = arith.constant 0 : i32
    %dma_wait3A_42 = arith.constant 0 : i32
    %dma_wait3A_43 = tpu.memref_slice %arg11[%dma_wait3A_41, %dma_wait3A_42] : memref<10240x128xf32, #tpu.memory_space<vmem_shared>> -> memref<10240x128xf32, #tpu.memory_space<vmem_shared>>
    tpu.wait_indirect_dma semaphore(%arg15 : memref<!tpu.dma_semaphore, #tpu.memory_space<semaphore_mem>>) src(%arg10 : memref<128x128xf32, #tpu.memory_space<vmem>>) dst(%dma_wait3A_43 : memref<10240x128xf32, #tpu.memory_space<vmem_shared>>)
    %barrier3A_44 = arith.constant 0 : index
    tpu.barrier barrier_id(%barrier3A_44)
    %eq3A = arith.constant 0 : i32
    %eq3A_45 = arith.cmpi eq, %arg0, %eq3A : i32
    %convert_element_type3A = arith.extui %eq3A_45 : i1 to i32
    %cond3A = arith.constant 0 : i32
    %cond3A_46 = arith.cmpi ne, %convert_element_type3A, %cond3A : i32
    scf.if %cond3A_46 {
      %mul3A_52 = arith.constant 640 : i32
      %mul3A_53 = arith.muli %arg1, %mul3A_52 : i32
      %mul3A_54 = arith.constant 640 : i32
      %mul3A_55 = arith.muli %arg1, %mul3A_54 : i32
      "tpu.region"() ({
        %run_scoped3A = tpu.sem_alloc : memref<!tpu.dma_semaphore, #tpu.memory_space<semaphore_mem>>
        %dma_start3A_56 = arith.constant 0 : i32
        %dma_start3A_57 = tpu.memref_slice %arg5[%mul3A_55, %dma_start3A_56] : memref<10240x128xf32, #tpu.memory_space<hbm>> -> memref<640x128xf32, #tpu.memory_space<hbm>>
        %dma_start3A_58 = arith.constant 0 : i32
        %dma_start3A_59 = tpu.memref_slice %arg11[%mul3A_53, %dma_start3A_58] : memref<10240x128xf32, #tpu.memory_space<vmem_shared>> -> memref<640x128xf32, #tpu.memory_space<vmem_shared>>
        tpu.enqueue_dma source(%dma_start3A_59 : memref<640x128xf32, #tpu.memory_space<vmem_shared>>) target(%dma_start3A_57 : memref<640x128xf32, #tpu.memory_space<hbm>>) target_semaphore(%run_scoped3A : memref<!tpu.dma_semaphore, #tpu.memory_space<semaphore_mem>>)
        %dma_wait3A_60 = arith.constant 0 : i32
        %dma_wait3A_61 = tpu.memref_slice %arg5[%mul3A_55, %dma_wait3A_60] : memref<10240x128xf32, #tpu.memory_space<hbm>> -> memref<640x128xf32, #tpu.memory_space<hbm>>
        %dma_wait3A_62 = arith.constant 0 : i32
        %dma_wait3A_63 = tpu.memref_slice %arg11[%mul3A_53, %dma_wait3A_62] : memref<10240x128xf32, #tpu.memory_space<vmem_shared>> -> memref<640x128xf32, #tpu.memory_space<vmem_shared>>
        tpu.wait_dma2 semaphore(%run_scoped3A : memref<!tpu.dma_semaphore, #tpu.memory_space<semaphore_mem>>) src(%dma_wait3A_63 : memref<640x128xf32, #tpu.memory_space<vmem_shared>>) dst(%dma_wait3A_61 : memref<640x128xf32, #tpu.memory_space<hbm>>)
        tpu.yield
      }) : () -> ()
    } else {
    }
    %eq3A_47 = arith.constant 1 : i32
    %eq3A_48 = arith.cmpi eq, %arg0, %eq3A_47 : i32
    %convert_element_type3A_49 = arith.extui %eq3A_48 : i1 to i32
    %cond3A_50 = arith.constant 0 : i32
    %cond3A_51 = arith.cmpi ne, %convert_element_type3A_49, %cond3A_50 : i32
    scf.if %cond3A_51 {
      %mul3A_52 = arith.constant 640 : i32
      %mul3A_53 = arith.muli %arg1, %mul3A_52 : i32
      %mul3A_54 = arith.constant 640 : i32
      %mul3A_55 = arith.muli %arg1, %mul3A_54 : i32
      "tpu.region"() ({
        %run_scoped3A = tpu.sem_alloc : memref<!tpu.dma_semaphore, #tpu.memory_space<semaphore_mem>>
        %dma_start3A_56 = arith.constant 0 : i32
        %dma_start3A_57 = tpu.memref_slice %arg6[%mul3A_55, %dma_start3A_56] : memref<10240x128xf32, #tpu.memory_space<hbm>> -> memref<640x128xf32, #tpu.memory_space<hbm>>
        %dma_start3A_58 = arith.constant 0 : i32
        %dma_start3A_59 = tpu.memref_slice %arg11[%mul3A_53, %dma_start3A_58] : memref<10240x128xf32, #tpu.memory_space<vmem_shared>> -> memref<640x128xf32, #tpu.memory_space<vmem_shared>>
        tpu.enqueue_dma source(%dma_start3A_59 : memref<640x128xf32, #tpu.memory_space<vmem_shared>>) target(%dma_start3A_57 : memref<640x128xf32, #tpu.memory_space<hbm>>) target_semaphore(%run_scoped3A : memref<!tpu.dma_semaphore, #tpu.memory_space<semaphore_mem>>)
        %dma_wait3A_60 = arith.constant 0 : i32
        %dma_wait3A_61 = tpu.memref_slice %arg6[%mul3A_55, %dma_wait3A_60] : memref<10240x128xf32, #tpu.memory_space<hbm>> -> memref<640x128xf32, #tpu.memory_space<hbm>>
        %dma_wait3A_62 = arith.constant 0 : i32
        %dma_wait3A_63 = tpu.memref_slice %arg11[%mul3A_53, %dma_wait3A_62] : memref<10240x128xf32, #tpu.memory_space<vmem_shared>> -> memref<640x128xf32, #tpu.memory_space<vmem_shared>>
        tpu.wait_dma2 semaphore(%run_scoped3A : memref<!tpu.dma_semaphore, #tpu.memory_space<semaphore_mem>>) src(%dma_wait3A_63 : memref<640x128xf32, #tpu.memory_space<vmem_shared>>) dst(%dma_wait3A_61 : memref<640x128xf32, #tpu.memory_space<hbm>>)
        tpu.yield
      }) : () -> ()
    } else {
    }
    return
  }
}

module attributes {stable_mosaic.version = 14 : i64} {
  func.func @_enc_body(%arg0: i32, %arg1: memref<1024x128xf32, #tpu.memory_space<vmem>>, %arg2: memref<128x128xf32, #tpu.memory_space<vmem>>, %arg3: memref<128xf32, #tpu.memory_space<vmem>>, %arg4: memref<1024xf32, #tpu.memory_space<vmem>>, %arg5: memref<1024xf32, #tpu.memory_space<vmem>>, %arg6: memref<1024x128xf32, #tpu.memory_space<vmem>>) attributes {dimension_semantics = [#tpu.dimension_semantics<arbitrary>], iteration_bounds = array<i64: 10>, scalar_prefetch = 0 : i64, scratch_operands = 0 : i64, tpu.core_type = #tpu.core_type<tc>, window_params = [{transform_indices = @transform_0, window_bounds = array<i64: 1024, 128>}, {pipeline_mode = #tpu.pipeline_mode<synchronous>, transform_indices = @transform_1, window_bounds = array<i64: 128, 128>}, {pipeline_mode = #tpu.pipeline_mode<synchronous>, transform_indices = @transform_2, window_bounds = array<i64: 128>}, {transform_indices = @transform_3, window_bounds = array<i64: 1024>}, {transform_indices = @transform_4, window_bounds = array<i64: 1024>}, {transform_indices = @transform_5, window_bounds = array<i64: 1024, 128>}]} {
    %get3A = arith.constant 0 : index
    %get3A_0 = arith.constant 0 : index
    %get3A_1 = vector.load %arg1[%get3A, %get3A_0] : memref<1024x128xf32, #tpu.memory_space<vmem>>, vector<1024x128xf32>
    %get3A_2 = arith.constant 0 : index
    %get3A_3 = arith.constant 0 : index
    %get3A_4 = vector.load %arg2[%get3A_2, %get3A_3] : memref<128x128xf32, #tpu.memory_space<vmem>>, vector<128x128xf32>
    %dot_general3A = arith.constant dense<0.000000e+00> : vector<1024x128xf32>
    %dot_general3A_5 = tpu.matmul %get3A_1, %get3A_4, %dot_general3A {dimension_numbers = #tpu.dot_dimension_numbers<[1], [0], [0], [1], [0, 0, 1, 1], [], []>, transpose_lhs_hint = false} : vector<1024x128xf32>, vector<128x128xf32>, vector<1024x128xf32> -> vector<1024x128xf32>
    %get3A_6 = arith.constant 0 : index
    %get3A_7 = vector.load %arg3[%get3A_6] : memref<128xf32, #tpu.memory_space<vmem>>, vector<128xf32>
    %broadcast_in_dim3A = vector.shape_cast %get3A_7 : vector<128xf32> to vector<1x128xf32>
    %add3A = vector.broadcast %broadcast_in_dim3A : vector<1x128xf32> to vector<1024x128xf32>
    %add3A_8 = arith.addf %dot_general3A_5, %add3A : vector<1024x128xf32>
    %max3A = arith.constant 0.000000e+00 : f32
    %max3A_9 = vector.broadcast %max3A : f32 to vector<1024x128xf32>
    %max3A_10 = arith.maximumf %add3A_8, %max3A_9 : vector<1024x128xf32>
    %get3A_11 = arith.constant 0 : index
    %get3A_12 = vector.load %arg4[%get3A_11] : memref<1024xf32, #tpu.memory_space<vmem>>, vector<1024xf32>
    %get3A_13 = arith.constant 0 : index
    %get3A_14 = vector.load %arg5[%get3A_13] : memref<1024xf32, #tpu.memory_space<vmem>>, vector<1024xf32>
    %add3A_15 = arith.addf %get3A_12, %get3A_14 : vector<1024xf32>
    %max3A_16 = arith.constant 1.000000e+00 : f32
    %max3A_17 = vector.broadcast %max3A_16 : f32 to vector<1024xf32>
    %max3A_18 = arith.maximumf %add3A_15, %max3A_17 : vector<1024xf32>
    %rsqrt3A = math.rsqrt %max3A_18 : vector<1024xf32>
    %broadcast_in_dim3A_19 = vector.shape_cast %rsqrt3A : vector<1024xf32> to vector<1024x1xf32>
    %mul3A = vector.broadcast %broadcast_in_dim3A_19 : vector<1024x1xf32> to vector<1024x128xf32>
    %mul3A_20 = arith.mulf %max3A_10, %mul3A : vector<1024x128xf32>
    %swap3A = arith.constant 0 : index
    %swap3A_21 = arith.constant 0 : index
    %swap3A_22 = vector.load %arg6[%swap3A, %swap3A_21] : memref<1024x128xf32, #tpu.memory_space<vmem>>, vector<1024x128xf32>
    tpu.vector_store %arg6[%swap3A, %swap3A_21], %mul3A_20 {strides = array<i32>} : memref<1024x128xf32, #tpu.memory_space<vmem>>, vector<1024x128xf32>,
    return
  }
  func.func @transform_0(%arg0: i32) -> (i32, i32) {
    %c0_i32 = arith.constant 0 : i32
    %c0_i32_0 = arith.constant 0 : i32
    return %arg0, %c0_i32 : i32, i32
  }
  func.func @transform_1(%arg0: i32) -> (i32, i32) {
    %c0_i32 = arith.constant 0 : i32
    %c0_i32_0 = arith.constant 0 : i32
    %c0_i32_1 = arith.constant 0 : i32
    return %c0_i32, %c0_i32_0 : i32, i32
  }
  func.func @transform_2(%arg0: i32) -> i32 {
    %c0_i32 = arith.constant 0 : i32
    %c0_i32_0 = arith.constant 0 : i32
    return %c0_i32 : i32
  }
  func.func @transform_3(%arg0: i32) -> i32 {
    %c0_i32 = arith.constant 0 : i32
    return %arg0 : i32
  }
  func.func @transform_4(%arg0: i32) -> i32 {
    %c0_i32 = arith.constant 0 : i32
    return %arg0 : i32
  }
  func.func @transform_5(%arg0: i32) -> (i32, i32) {
    %c0_i32 = arith.constant 0 : i32
    %c0_i32_0 = arith.constant 0 : i32
    return %arg0, %c0_i32 : i32, i32
  }
}

module attributes {stable_mosaic.version = 14 : i64} {
  func.func @_layer_body(%arg0: i32, %arg1: memref<1024x128xf32, #tpu.memory_space<vmem>>, %arg2: memref<1024x128xf32, #tpu.memory_space<vmem>>, %arg3: memref<1024x128xf32, #tpu.memory_space<vmem>>, %arg4: memref<1024xf32, #tpu.memory_space<vmem>>, %arg5: memref<1024xf32, #tpu.memory_space<vmem>>, %arg6: memref<128x128xf32, #tpu.memory_space<vmem>>, %arg7: memref<128xf32, #tpu.memory_space<vmem>>, %arg8: memref<1024x128xf32, #tpu.memory_space<vmem>>) attributes {dimension_semantics = [#tpu.dimension_semantics<arbitrary>], iteration_bounds = array<i64: 10>, scalar_prefetch = 0 : i64, scratch_operands = 0 : i64, tpu.core_type = #tpu.core_type<tc>, window_params = [{transform_indices = @transform_0, window_bounds = array<i64: 1024, 128>}, {transform_indices = @transform_1, window_bounds = array<i64: 1024, 128>}, {transform_indices = @transform_2, window_bounds = array<i64: 1024, 128>}, {transform_indices = @transform_3, window_bounds = array<i64: 1024>}, {transform_indices = @transform_4, window_bounds = array<i64: 1024>}, {pipeline_mode = #tpu.pipeline_mode<synchronous>, transform_indices = @transform_5, window_bounds = array<i64: 128, 128>}, {pipeline_mode = #tpu.pipeline_mode<synchronous>, transform_indices = @transform_6, window_bounds = array<i64: 128>}, {transform_indices = @transform_7, window_bounds = array<i64: 1024, 128>}]} {
    %get3A = arith.constant 0 : index
    %get3A_0 = vector.load %arg4[%get3A] : memref<1024xf32, #tpu.memory_space<vmem>>, vector<1024xf32>
    %get3A_1 = arith.constant 0 : index
    %get3A_2 = vector.load %arg5[%get3A_1] : memref<1024xf32, #tpu.memory_space<vmem>>, vector<1024xf32>
    %add3A = arith.addf %get3A_0, %get3A_2 : vector<1024xf32>
    %max3A = arith.constant 1.000000e+00 : f32
    %max3A_3 = vector.broadcast %max3A : f32 to vector<1024xf32>
    %max3A_4 = arith.maximumf %add3A, %max3A_3 : vector<1024xf32>
    %rsqrt3A = math.rsqrt %max3A_4 : vector<1024xf32>
    %broadcast_in_dim3A = vector.shape_cast %rsqrt3A : vector<1024xf32> to vector<1024x1xf32>
    %get3A_5 = arith.constant 0 : index
    %get3A_6 = arith.constant 0 : index
    %get3A_7 = vector.load %arg2[%get3A_5, %get3A_6] : memref<1024x128xf32, #tpu.memory_space<vmem>>, vector<1024x128xf32>
    %get3A_8 = arith.constant 0 : index
    %get3A_9 = arith.constant 0 : index
    %get3A_10 = vector.load %arg3[%get3A_8, %get3A_9] : memref<1024x128xf32, #tpu.memory_space<vmem>>, vector<1024x128xf32>
    %add3A_11 = arith.addf %get3A_7, %get3A_10 : vector<1024x128xf32>
    %mul3A = vector.broadcast %broadcast_in_dim3A : vector<1024x1xf32> to vector<1024x128xf32>
    %mul3A_12 = arith.mulf %add3A_11, %mul3A : vector<1024x128xf32>
    %get3A_13 = arith.constant 0 : index
    %get3A_14 = arith.constant 0 : index
    %get3A_15 = vector.load %arg1[%get3A_13, %get3A_14] : memref<1024x128xf32, #tpu.memory_space<vmem>>, vector<1024x128xf32>
    %get3A_16 = arith.constant 0 : index
    %get3A_17 = arith.constant 0 : index
    %get3A_18 = vector.load %arg6[%get3A_16, %get3A_17] : memref<128x128xf32, #tpu.memory_space<vmem>>, vector<128x128xf32>
    %dot_general3A = arith.constant dense<0.000000e+00> : vector<1024x128xf32>
    %dot_general3A_19 = tpu.matmul %mul3A_12, %get3A_18, %dot_general3A {dimension_numbers = #tpu.dot_dimension_numbers<[1], [0], [0], [1], [0, 0, 1, 1], [], []>, transpose_lhs_hint = false} : vector<1024x128xf32>, vector<128x128xf32>, vector<1024x128xf32> -> vector<1024x128xf32>
    %get3A_20 = arith.constant 0 : index
    %get3A_21 = vector.load %arg7[%get3A_20] : memref<128xf32, #tpu.memory_space<vmem>>, vector<128xf32>
    %broadcast_in_dim3A_22 = vector.shape_cast %get3A_21 : vector<128xf32> to vector<1x128xf32>
    %add3A_23 = vector.broadcast %broadcast_in_dim3A_22 : vector<1x128xf32> to vector<1024x128xf32>
    %add3A_24 = arith.addf %dot_general3A_19, %add3A_23 : vector<1024x128xf32>
    %max3A_25 = arith.constant 0.000000e+00 : f32
    %max3A_26 = vector.broadcast %max3A_25 : f32 to vector<1024x128xf32>
    %max3A_27 = arith.maximumf %add3A_24, %max3A_26 : vector<1024x128xf32>
    %mul3A_28 = vector.broadcast %broadcast_in_dim3A : vector<1024x1xf32> to vector<1024x128xf32>
    %mul3A_29 = arith.mulf %mul3A_28, %max3A_27 : vector<1024x128xf32>
    %add3A_30 = arith.addf %get3A_15, %mul3A_29 : vector<1024x128xf32>
    %swap3A = arith.constant 0 : index
    %swap3A_31 = arith.constant 0 : index
    %swap3A_32 = vector.load %arg8[%swap3A, %swap3A_31] : memref<1024x128xf32, #tpu.memory_space<vmem>>, vector<1024x128xf32>
    tpu.vector_store %arg8[%swap3A, %swap3A_31], %add3A_30 {strides = array<i32>} : memref<1024x128xf32, #tpu.memory_space<vmem>>, vector<1024x128xf32>,
    return
  }
  func.func @transform_0(%arg0: i32) -> (i32, i32) {
    %c0_i32 = arith.constant 0 : i32
    %c0_i32_0 = arith.constant 0 : i32
    return %arg0, %c0_i32 : i32, i32
  }
  func.func @transform_1(%arg0: i32) -> (i32, i32) {
    %c0_i32 = arith.constant 0 : i32
    %c0_i32_0 = arith.constant 0 : i32
    return %arg0, %c0_i32 : i32, i32
  }
  func.func @transform_2(%arg0: i32) -> (i32, i32) {
    %c0_i32 = arith.constant 0 : i32
    %c0_i32_0 = arith.constant 0 : i32
    return %arg0, %c0_i32 : i32, i32
  }
  func.func @transform_3(%arg0: i32) -> i32 {
    %c0_i32 = arith.constant 0 : i32
    return %arg0 : i32
  }
  func.func @transform_4(%arg0: i32) -> i32 {
    %c0_i32 = arith.constant 0 : i32
    return %arg0 : i32
  }
  func.func @transform_5(%arg0: i32) -> (i32, i32) {
    %c0_i32 = arith.constant 0 : i32
    %c0_i32_0 = arith.constant 0 : i32
    %c0_i32_1 = arith.constant 0 : i32
    return %c0_i32, %c0_i32_0 : i32, i32
  }
  func.func @transform_6(%arg0: i32) -> i32 {
    %c0_i32 = arith.constant 0 : i32
    %c0_i32_0 = arith.constant 0 : i32
    return %c0_i32 : i32
  }
  func.func @transform_7(%arg0: i32) -> (i32, i32) {
    %c0_i32 = arith.constant 0 : i32
    %c0_i32_0 = arith.constant 0 : i32
    return %arg0, %c0_i32 : i32, i32
  }
}

module attributes {stable_mosaic.version = 14 : i64} {
  func.func @_final_body(%arg0: i32, %arg1: memref<1024x128xf32, #tpu.memory_space<vmem>>, %arg2: memref<1024x128xf32, #tpu.memory_space<vmem>>, %arg3: memref<1024x128xf32, #tpu.memory_space<vmem>>, %arg4: memref<1024xf32, #tpu.memory_space<vmem>>, %arg5: memref<1024xf32, #tpu.memory_space<vmem>>, %arg6: memref<128x128xf32, #tpu.memory_space<vmem>>, %arg7: memref<128xf32, #tpu.memory_space<vmem>>, %arg8: memref<128x128xf32, #tpu.memory_space<vmem>>, %arg9: memref<128xf32, #tpu.memory_space<vmem>>, %arg10: memref<1024x16xf32, #tpu.memory_space<vmem>>) attributes {dimension_semantics = [#tpu.dimension_semantics<arbitrary>], iteration_bounds = array<i64: 10>, scalar_prefetch = 0 : i64, scratch_operands = 0 : i64, tpu.core_type = #tpu.core_type<tc>, window_params = [{transform_indices = @transform_0, window_bounds = array<i64: 1024, 128>}, {transform_indices = @transform_1, window_bounds = array<i64: 1024, 128>}, {transform_indices = @transform_2, window_bounds = array<i64: 1024, 128>}, {transform_indices = @transform_3, window_bounds = array<i64: 1024>}, {transform_indices = @transform_4, window_bounds = array<i64: 1024>}, {pipeline_mode = #tpu.pipeline_mode<synchronous>, transform_indices = @transform_5, window_bounds = array<i64: 128, 128>}, {pipeline_mode = #tpu.pipeline_mode<synchronous>, transform_indices = @transform_6, window_bounds = array<i64: 128>}, {pipeline_mode = #tpu.pipeline_mode<synchronous>, transform_indices = @transform_7, window_bounds = array<i64: 128, 128>}, {pipeline_mode = #tpu.pipeline_mode<synchronous>, transform_indices = @transform_8, window_bounds = array<i64: 128>}, {transform_indices = @transform_9, window_bounds = array<i64: 1024, 16>}]} {
    %get3A = arith.constant 0 : index
    %get3A_0 = vector.load %arg4[%get3A] : memref<1024xf32, #tpu.memory_space<vmem>>, vector<1024xf32>
    %get3A_1 = arith.constant 0 : index
    %get3A_2 = vector.load %arg5[%get3A_1] : memref<1024xf32, #tpu.memory_space<vmem>>, vector<1024xf32>
    %add3A = arith.addf %get3A_0, %get3A_2 : vector<1024xf32>
    %max3A = arith.constant 1.000000e+00 : f32
    %max3A_3 = vector.broadcast %max3A : f32 to vector<1024xf32>
    %max3A_4 = arith.maximumf %add3A, %max3A_3 : vector<1024xf32>
    %sqrt3A = math.sqrt %max3A_4 : vector<1024xf32>
    %broadcast_in_dim3A = vector.shape_cast %sqrt3A : vector<1024xf32> to vector<1024x1xf32>
    %max3A_5 = arith.constant 1.000000e+00 : f32
    %max3A_6 = vector.broadcast %max3A_5 : f32 to vector<1024xf32>
    %max3A_7 = arith.maximumf %add3A, %max3A_6 : vector<1024xf32>
    %rsqrt3A = math.rsqrt %max3A_7 : vector<1024xf32>
    %broadcast_in_dim3A_8 = vector.shape_cast %rsqrt3A : vector<1024xf32> to vector<1024x1xf32>
    %get3A_9 = arith.constant 0 : index
    %get3A_10 = arith.constant 0 : index
    %get3A_11 = vector.load %arg2[%get3A_9, %get3A_10] : memref<1024x128xf32, #tpu.memory_space<vmem>>, vector<1024x128xf32>
    %get3A_12 = arith.constant 0 : index
    %get3A_13 = arith.constant 0 : index
    %get3A_14 = vector.load %arg3[%get3A_12, %get3A_13] : memref<1024x128xf32, #tpu.memory_space<vmem>>, vector<1024x128xf32>
    %add3A_15 = arith.addf %get3A_11, %get3A_14 : vector<1024x128xf32>
    %mul3A = vector.broadcast %broadcast_in_dim3A_8 : vector<1024x1xf32> to vector<1024x128xf32>
    %mul3A_16 = arith.mulf %add3A_15, %mul3A : vector<1024x128xf32>
    %get3A_17 = arith.constant 0 : index
    %get3A_18 = arith.constant 0 : index
    %get3A_19 = vector.load %arg1[%get3A_17, %get3A_18] : memref<1024x128xf32, #tpu.memory_space<vmem>>, vector<1024x128xf32>
    %mul3A_20 = vector.broadcast %broadcast_in_dim3A : vector<1024x1xf32> to vector<1024x128xf32>
    %mul3A_21 = arith.mulf %get3A_19, %mul3A_20 : vector<1024x128xf32>
    %get3A_22 = arith.constant 0 : index
    %get3A_23 = arith.constant 0 : index
    %get3A_24 = vector.load %arg6[%get3A_22, %get3A_23] : memref<128x128xf32, #tpu.memory_space<vmem>>, vector<128x128xf32>
    %dot_general3A = arith.constant dense<0.000000e+00> : vector<1024x128xf32>
    %dot_general3A_25 = tpu.matmul %mul3A_16, %get3A_24, %dot_general3A {dimension_numbers = #tpu.dot_dimension_numbers<[1], [0], [0], [1], [0, 0, 1, 1], [], []>, transpose_lhs_hint = false} : vector<1024x128xf32>, vector<128x128xf32>, vector<1024x128xf32> -> vector<1024x128xf32>
    %get3A_26 = arith.constant 0 : index
    %get3A_27 = vector.load %arg7[%get3A_26] : memref<128xf32, #tpu.memory_space<vmem>>, vector<128xf32>
    %broadcast_in_dim3A_28 = vector.shape_cast %get3A_27 : vector<128xf32> to vector<1x128xf32>
    %add3A_29 = vector.broadcast %broadcast_in_dim3A_28 : vector<1x128xf32> to vector<1024x128xf32>
    %add3A_30 = arith.addf %dot_general3A_25, %add3A_29 : vector<1024x128xf32>
    %max3A_31 = arith.constant 0.000000e+00 : f32
    %max3A_32 = vector.broadcast %max3A_31 : f32 to vector<1024x128xf32>
    %max3A_33 = arith.maximumf %add3A_30, %max3A_32 : vector<1024x128xf32>
    %add3A_34 = arith.addf %mul3A_21, %max3A_33 : vector<1024x128xf32>
    %get3A_35 = arith.constant 0 : index
    %get3A_36 = arith.constant 0 : index
    %get3A_37 = vector.load %arg8[%get3A_35, %get3A_36] : memref<128x128xf32, #tpu.memory_space<vmem>>, vector<128x128xf32>
    %dot_general3A_38 = arith.constant dense<0.000000e+00> : vector<1024x128xf32>
    %dot_general3A_39 = tpu.matmul %add3A_34, %get3A_37, %dot_general3A_38 {dimension_numbers = #tpu.dot_dimension_numbers<[1], [0], [0], [1], [0, 0, 1, 1], [], []>, transpose_lhs_hint = false} : vector<1024x128xf32>, vector<128x128xf32>, vector<1024x128xf32> -> vector<1024x128xf32>
    %get3A_40 = arith.constant 0 : index
    %get3A_41 = vector.load %arg9[%get3A_40] : memref<128xf32, #tpu.memory_space<vmem>>, vector<128xf32>
    %broadcast_in_dim3A_42 = vector.shape_cast %get3A_41 : vector<128xf32> to vector<1x128xf32>
    %add3A_43 = vector.broadcast %broadcast_in_dim3A_42 : vector<1x128xf32> to vector<1024x128xf32>
    %add3A_44 = arith.addf %dot_general3A_39, %add3A_43 : vector<1024x128xf32>
    %slice3A = vector.extract_strided_slice %add3A_44 {offsets = [0, 0], sizes = [1024, 16], strides = [1, 1]} : vector<1024x128xf32> to vector<1024x16xf32>
    %swap3A = arith.constant 0 : index
    %swap3A_45 = arith.constant 0 : index
    %swap3A_46 = vector.load %arg10[%swap3A, %swap3A_45] : memref<1024x16xf32, #tpu.memory_space<vmem>>, vector<1024x16xf32>
    tpu.vector_store %arg10[%swap3A, %swap3A_45], %slice3A {strides = array<i32>} : memref<1024x16xf32, #tpu.memory_space<vmem>>, vector<1024x16xf32>,
    return
  }
  func.func @transform_0(%arg0: i32) -> (i32, i32) {
    %c0_i32 = arith.constant 0 : i32
    %c0_i32_0 = arith.constant 0 : i32
    return %arg0, %c0_i32 : i32, i32
  }
  func.func @transform_1(%arg0: i32) -> (i32, i32) {
    %c0_i32 = arith.constant 0 : i32
    %c0_i32_0 = arith.constant 0 : i32
    return %arg0, %c0_i32 : i32, i32
  }
  func.func @transform_2(%arg0: i32) -> (i32, i32) {
    %c0_i32 = arith.constant 0 : i32
    %c0_i32_0 = arith.constant 0 : i32
    return %arg0, %c0_i32 : i32, i32
  }
  func.func @transform_3(%arg0: i32) -> i32 {
    %c0_i32 = arith.constant 0 : i32
    return %arg0 : i32
  }
  func.func @transform_4(%arg0: i32) -> i32 {
    %c0_i32 = arith.constant 0 : i32
    return %arg0 : i32
  }
  func.func @transform_5(%arg0: i32) -> (i32, i32) {
    %c0_i32 = arith.constant 0 : i32
    %c0_i32_0 = arith.constant 0 : i32
    %c0_i32_1 = arith.constant 0 : i32
    return %c0_i32, %c0_i32_0 : i32, i32
  }
  func.func @transform_6(%arg0: i32) -> i32 {
    %c0_i32 = arith.constant 0 : i32
    %c0_i32_0 = arith.constant 0 : i32
    return %c0_i32 : i32
  }
  func.func @transform_7(%arg0: i32) -> (i32, i32) {
    %c0_i32 = arith.constant 0 : i32
    %c0_i32_0 = arith.constant 0 : i32
    %c0_i32_1 = arith.constant 0 : i32
    return %c0_i32, %c0_i32_0 : i32, i32
  }
  func.func @transform_8(%arg0: i32) -> i32 {
    %c0_i32 = arith.constant 0 : i32
    %c0_i32_0 = arith.constant 0 : i32
    return %c0_i32 : i32
  }
  func.func @transform_9(%arg0: i32) -> (i32, i32) {
    %c0_i32 = arith.constant 0 : i32
    %c0_i32_0 = arith.constant 0 : i32
    return %arg0, %c0_i32 : i32, i32
  }
}

</mosaic_0001>

<sc_bundles>
// kernel: kernel.11.cloned.1.call-start
scs
__scs_entry_jumppad:
0x0: {  	(pc) =	sbr.rel $0x88, $3  }
0x1: {  	(tag) =	ssettag $0x0;
	lr =	simm.s32 $0x1  }
0x2: {  	[smem:$0x3F97] =	sst lr;
	_ =	strace $0xD0000000  }
0x3: {  	_ = 	snop  }
0x4: {  	_ = 	snop  }
0x5: {  	_ = 	snop  }
0x6: {  	_ = 	snop  }
0x7: {  	_ = 	snop  }
__scs_overlays_trampoline_lowered:
0x8: {  	[smem:$0x3FA6] =	sst s0  }
0x9: {  	[smem:$0x3FA7] =	sst s1  }
0xa: {  	[smem:$0x3FA8] =	sst s2  }
0xb: {  	[smem:$0x3FA9] =	sst s3  }
0xc: {  	[smem:$0x3FAA] =	sst s4  }
0xd: {  	[smem:$0x3FAB] =	sst s5  }
0xe: {  	[smem:$0x3FAC] =	sst s6  }
0xf: {  	[smem:$0x3FAD] =	sst s7  }
0x10: {  	[smem:$0x3FAE] =	sst s8  }
0x11: {  	[smem:$0x3FAF] =	sst s9;
	s0 =	simm.s32 @!p0 $0x0  }
0x12: {  	s1 =	sld [smem:$0x3F95];
	s0 =	simm.s32 @p0 $0x1  }
0x13: {  	[smem:$0x3FB0] =	sst s0;
	s0 =	simm.s32 @!p1 $0x0  }
0x14: {  	s2 =	sld [smem:$0x3F94];
	s0 =	simm.s32 @p1 $0x1  }
0x15: {  	[smem:$0x3FB1] =	sst s0;
	s0 =	simm.s32 @!p2 $0x0  }
0x16: {  	s3 =	sld [smem:$0x3FDB];
	s0 =	simm.s32 @p2 $0x1  }
0x17: {  	s4 =	simm.s32 $0x1BF5;
	[smem:$0x3FB3] =	sst s0  }
0x18: {  	s0 =	sld [smem:$0x3F96];
	_ =	swait.ge [sflag:s4], $0x0  }
0x19: {  	s7 =	sld [smem:$0x3F97]  }
0x1a: {  	s8 =	sadd.s32 $0xFFFFE003, lr  }
0x1b: {  	s9 =	sadd.s32 $0xFFFFFEF7, lr;
	s5 =	simm.s32 $0xFFFFFFFF;
	p2 =	slt.u32 s8, $0xFFFFF086  }
0x1c: {  	p1 =	slt.u32 s9, $0xF7A;
	s5 =	simm.s32 @!p2 $0x0  }
0x1d: {  	s5 =	simm.s32 @p1 $0x1;
	p0 =	seq.s32 s7, s2  }
0x1e: {  	s7 =	smul.u32 @!p0 $0xF7A, s2;
	p2 =	seq.s32 @!p0 s5, $0x0  }
0x1f: {  	s9 =	smul.u32 $0xF7A, s1;
	s8 =	simm.s32 @!p0 $0x1BF5;
	p2 =	por !p2, p0  }
0x20: {  	[sflag:s8] =	ssyncset.s32 @!p0 $0xFFFFF086;
	s6 =	sadd.s32 @!p0 s3, s7;
	s7 =	simm.s32 @!p0 $0x108  }
0x21: {  	s3 =	sadd.s32 s3, s9;
	s6 =	sadd.s32 @!p0 $0x88, s6;
	s7 =	simm.s32 @p2 $0x1082  }
0x22: {  	[simem:s7], [sflag:s8] =	dma.local @!p0 [hbm:s6], $0xF7A  }
0x23: {  	s9 =	sor.u32 $0xD0000000, s2;
	s6 =	simm.s32 $0x108;
	_ =	swait.ge @!p0 [sflag:s8], $0x0  }
0x24: {  	s3 =	sadd.s32 $0x88, s3;
	s6 =	simm.s32 @!p1 $0x1082;
	[sflag:s4] =	ssyncset.s32 $0xFFFFF086  }
0x25: {  	[simem:s6], [sflag:s4] =	dma.local [hbm:s3], $0xF7A  }
0x26: {  	[smem:$0x3F97] =	sst s1;
	(tag) =	ssettag s2;
	_ =	strace s9  }
0x27: {  	s1 =	sld [smem:$0x3FA7]  }
0x28: {  	s2 =	sld [smem:$0x3FA8]  }
0x29: {  	s4 =	sld [smem:$0x3FAA]  }
0x2a: {  	p0 =	seq.s32 s5, $0x0;
	s5 =	sld [smem:$0x3FAB]  }
0x2b: {  	s6 =	sld [smem:$0x3FAC]  }
0x2c: {  	s7 =	sld [smem:$0x3FAD]  }
0x2d: {  	s3 =	simm.s32 $0x108;
	s8 =	sld [smem:$0x3FAE]  }
0x2e: {  	s3 =	simm.s32 @!p0 $0x1082;
	s9 =	sld [smem:$0x3FAF]  }
0x2f: {  	lr =	sadd.s32 s0, s3;
	s0 =	sld [smem:$0x3FA6]  }
0x30: {  	s3 =	sld [smem:$0x3FA9]  }
0x31: {  	[smem:$0x3FB2] =	sst s10  }
0x32: {  	s10 =	sld [smem:$0x3FB0];
	_ =	sdelay $0x3  }
0x33: {  	p0 =	seq.s32 s10, $0x1;
	s10 =	sld [smem:$0x3FB2];
	_ =	sdelay $0x3  }
0x34: {  	[smem:$0x3FB2] =	sst s10  }
0x35: {  	s10 =	sld [smem:$0x3FB1];
	_ =	sdelay $0x3  }
0x36: {  	p1 =	seq.s32 s10, $0x1;
	s10 =	sld [smem:$0x3FB2];
	_ =	sdelay $0x3  }
0x37: {  	[smem:$0x3FB2] =	sst s10  }
0x38: {  	s10 =	sld [smem:$0x3FB3]  }
0x39: {  	_ = 	snop;
	(pc) =	sbr.ind lr, $3  }
0x3a: {  	_ = 	snop  }
0x3b: {  	_ = 	snop  }
0x3c: {  	p2 =	seq.s32 s10, $0x1;
	s10 =	sld [smem:$0x3FB2]  }
0x3d: {  	_ =	shalt  }
0x3e: {  	_ =	shalt  }
0x3f: {  	_ =	shalt  }
0x40: {  	_ =	shalt  }
0x41: {  	_ =	shalt  }
0x42: {  	_ =	shalt  }
0x43: {  	_ =	shalt  }
0x44: {  	_ =	shalt  }
0x45: {  	_ =	shalt  }
0x46: {  	_ =	shalt  }
0x47: {  	_ =	shalt  }
0x48: {  	_ =	shalt  }
0x49: {  	_ =	shalt  }
0x4a: {  	_ =	shalt  }
0x4b: {  	_ =	shalt  }
0x4c: {  	_ =	shalt  }
0x4d: {  	_ =	shalt  }
0x4e: {  	_ =	shalt  }
0x4f: {  	_ =	shalt  }
0x50: {  	_ =	shalt  }
0x51: {  	_ =	shalt  }
0x52: {  	_ =	shalt  }
0x53: {  	_ =	shalt  }
0x54: {  	_ =	shalt  }
0x55: {  	_ =	shalt  }
0x56: {  	_ =	shalt  }
0x57: {  	_ =	shalt  }
0x58: {  	_ =	shalt  }
0x59: {  	_ =	shalt  }
0x5a: {  	_ =	shalt  }
0x5b: {  	_ =	shalt  }
0x5c: {  	_ =	shalt  }
0x5d: {  	_ =	shalt  }
0x5e: {  	_ =	shalt  }
0x5f: {  	_ =	shalt  }
0x60: {  	_ =	shalt  }
0x61: {  	_ =	shalt  }
0x62: {  	_ =	shalt  }
0x63: {  	_ =	shalt  }
0x64: {  	_ =	shalt  }
0x65: {  	_ =	shalt  }
0x66: {  	_ =	shalt  }
0x67: {  	_ =	shalt  }
0x68: {  	_ =	shalt  }
0x69: {  	_ =	shalt  }
0x6a: {  	_ =	shalt  }
0x6b: {  	_ =	shalt  }
0x6c: {  	_ =	shalt  }
0x6d: {  	_ =	shalt  }
0x6e: {  	_ =	shalt  }
0x6f: {  	_ =	shalt  }
0x70: {  	_ =	shalt  }
0x71: {  	_ =	shalt  }
0x72: {  	_ =	shalt  }
0x73: {  	_ =	shalt  }
0x74: {  	_ =	shalt  }
0x75: {  	_ =	shalt  }
0x76: {  	_ =	shalt  }
0x77: {  	_ =	shalt  }
0x78: {  	_ =	shalt  }
0x79: {  	_ =	shalt  }
0x7a: {  	_ =	shalt  }
0x7b: {  	_ =	shalt  }
0x7c: {  	_ =	shalt  }
0x7d: {  	_ =	shalt  }
0x7e: {  	_ =	shalt  }
0x7f: {  	_ =	shalt  }
0x80: {  	_ =	shalt  }
0x81: {  	_ =	shalt  }
0x82: {  	_ =	shalt  }
0x83: {  	_ =	shalt  }
0x84: {  	_ =	shalt  }
0x85: {  	_ =	shalt  }
0x86: {  	_ =	shalt  }
0x87: {  	_ =	shalt  }
.Lfunc_end0:
.L_simem_size_0:
called_computation.1_lowered:
.L_overlay_start_0:
0x88: {  	s2 =	sld [smem:$0x3FD9]  }
0x89: {  	s3 =	sld [smem:$0x3FFE];
	_ =	sdelay $0x1  }
0x8a: {  	s1 =	srdreg.scid  }
0x8b: {  	s0 =	sand.u32 $0x1, s1  }
0x8c: {  	s16 =	sshll.u32 s0, $0xA;
	s2 =	sadd.s32 s3, s2  }
0x8d: {  	s2 =	sadd.s32 s2, s16  }
0x8e: {  	[smem:$0x3FBE] =	sst s2  }
0x8f: {  	_ = 	snop  }
0x90: {  	(tm) =	ssettm $0x1  }
0x91: {  	s17 =	sld [smem:$0x3FFB];
	_ =	sdelay $0x3  }
0x92: {  	_ =	strace s17  }
0x93: {  	s2 =	sld [smem:$0x3FFC];
	_ =	sdelay $0x3  }
0x94: {  	_ =	strace s2  }
0x95: {  	s2 =	sld [smem:$0x3FFD];
	_ =	sdelay $0x3  }
0x96: {  	_ =	strace s2  }
0x97: {  	_ =	strace $0x8FFFFFFF  }
0x98: {  	s18 =	sld [smem:$0x3FDB];
	_ =	sdelay $0x1  }
0x99: {  	s19 =	simm.s32 $_scs_section_size  }
0x9a: {  	s4 =	simm.s32 $_size__tile_overlayer_lowered;
	s5 =	simm.s32 $_tile_overlayer_lowered  }
0x9b: {  	s22 =	simm.s32 $0x1BFF;
	s21 =	sshll.u32 s5, $0x1;
	s2 =	sadd.s32 s19, s18  }
0x9c: {  	s6 =	simm.s32 $0x0;
	s20 =	sshll.u32 s4, $0x1;
	s4 =	sadd.s32 s21, s2  }
0x9d: {  	[timem:s6], [sflag:s22] =	dma.local [hbm:s4], s20  }
0x9e: {  	_ =	swait.ge [sflag:s22], s20  }
0x9f: {  	s3 =	ssub.s32 $0x0, s20;
	[sflag:s22] =	ssyncset.done $0x0  }
0xa0: {  	[sflag:s22] =	ssyncadd.s32 s3;
	_ =	sdelay $0x1  }
0xa1: {  	s23 =	simm.s32 $0x1B8B  }
0xa2: {  	_ =	swait.ge [sflag:s23], $0x1  }
0xa3: {  	[sflag:s23] =	ssyncset.done $0x0  }
0xa4: {  	s25 =	simm.s32 $0x1B8E;
	s24 =	sld [smem:$0x3FFE];
	[sflag:s23] =	ssyncadd.s32 $0xFFFFFFFF  }
0xa5: {  	s26 =	simm.s32 $execute0_lowered;
	[smem:$0x3FD2] =	sst s25  }
0xa6: {  	s4 =	sshll.u32 s26, $0x1;
	_ =	strace $0x80000049;
	[dreg:$0x1] =	wrdreg $0xFFFFFFFF  }
0xa7: {  	s28 =	simm.s32 $_size_execute0_lowered;
	s2 =	sadd.s32 s2, s4;
	[dreg:$0x0] =	wrdreg $0x0  }
0xa8: {  	s4 =	sshll.u32 s28, $0x1;
	[dreg:$0x2] =	wrdreg s2  }
0xa9: {  	[dreg:$0x3] =	wrdreg s4  }
0xaa: {  	[dreg:$0x4] =	wrdreg $0xC0  }
0xab: {  	_ =	task [dreg:s6], $0x5FFFF  }
0xac: {  	[dreg:$0x1] =	wrdreg $0xFFFFFFFF  }
0xad: {  	[dreg:$0x0] =	wrdreg $0x60  }
0xae: {  	[dreg:$0x2] =	wrdreg s24  }
0xaf: {  	[dreg:$0x3] =	wrdreg $0xA8000  }
0xb0: {  	[dreg:$0x4] =	wrdreg $0x9  }
0xb1: {  	_ =	task.clear_ibuf [dreg:s6], $0x5FFFF;
	_ =	strace $0x90000049  }
0xb2: {  	s29 =	simm.s32 $0x9;
	_ =	strace $0x8000004B  }
0xb3: {  	_ =	swait.ge [sflag:s29], $0x1  }
0xb4: {  	[sflag:s29] =	ssyncadd.s32 $0xFFFFFFFF  }
0xb5: {  	_ =	strace $0x9000004B  }
0xb6: {  	_ =	sfence  }
0xb7: {  	s30 =	sld [smem:$0x0];
	_ =	sdelay $0x2  }
0xb8: {  	s31 =	sshll.u32 s1, $0xD;
	s1 =	sshrl.u32 s1, $0x2  }
0xb9: {  	s3 =	sand.u32 $0x4000, s31;
	s1 =	sadd.s32 s1, s30  }
0xba: {  	s0 =	sor.u32 s3, s0;
	s1 =	sshll.u32 s1, $0x11  }
0xbb: {  	s0 =	sor.u32 s1, s0  }
0xbc: {  	s0 =	sadd.s32 $0x8F2B, s0  }
0xbd: {  	[sflag:s0] =	ssyncadd.remote.s32 $0x1  }
0xbe: {  	_ =	sfence.sel $0xFFFF  }
0xbf: {  	[dreg:$0x0] =	wrdreg $0xFFFFFFFF;
	(pc) =	sbr.abs _section_cstart, $3  }
0xc0: {  	[dreg:$0x1] =	wrdreg $0xFFFFFFFF  }
0xc1: {  	_ =	task.clear_ibuf [dreg:s6], $0x2FFFF;
	_ =	strace $0x9FFFFFFF  }
0xc2: {  	(tm) =	ssettm $0x7FFFFFFF  }
0xc3: {  	_ =	shalt  }
tec
execute0_lowered:
.L_overlay_start_1:
0x0: {  	(tag) =	ssettag $0x1  }
0x1: {  	s0 =	rddreg [dreg:$0x0]  }
0x2: {  	s1 =	srdreg.scid;
	s2 =	rddreg [dreg:$0x1]  }
0x3: {  	s30 =	stileid.u32;
	s3 =	simm.s32 $0x0;
	s11 =	simm.s32 $0x5D200  }
0x4: {  	s14 =	simm.s32 $0x2800;
	s15 =	simm.s32 $0x5;
	s16 =	simm.s32 $0x1400  }
0x5: {  	s17 =	simm.s32 $0x80;
	s18 =	simm.s32 $0x6800;
	s19 =	simm.s32 $0x1  }
0x6: {  	s20 =	simm.s32 $0x3;
	s21 =	simm.s32 $0x100;
	s22 =	simm.s32 $0x2  }
0x7: {  	s23 =	simm.s32 $0x1480;
	s24 =	simm.s32 $0x4;
	s5 =	smul.u32 $0x28, s30  }
0x8: {  	s25 =	simm.s32 $0x1380;
	s26 =	simm.s32 $0x2700;
	s6 =	smul.u32 $0x50000, s30  }
0x9: {  	s28 =	simm.s32 $0x2780;
	s8 =	sand.u32 $0x1, s1;
	s13 =	smul.u32 $0x2800, s30  }
0xa: {  	s29 =	simm.s32 $0x0;
	[smem:$0x7FF] =	sst s3;
	s4 =	smul.u32 $0x280, s8  }
0xb: {  	_ =	strace $0x8000004A;
	s7 =	ssub.s32 $0x2, s8;
	p0 =	seq.s32 s8, $0x1  }
0xc: {  	s31 =	sshrl.u32 s7, $0x1;
	s6 =	sshrl.u32 s6, $0x2;
	s5 =	sadd.s32 s5, s4  }
0xd: {  	s11 =	simm.s32 @!p0 $0x35200;
	s10 =	ssub.s32 s7, s31;
	s5 =	sshll.u32 s5, $0x4  }
0xe: {  	s4 =	sadd.s32 $0xD200, s0;
	s8 =	smax.u32 s10, $0x1;
	s9 =	sadd.s32 s5, s0  }
0xf: {  	s5 =	sadd.s32 s6, s2;
	s0 =	sadd.s32 s11, s0;
	s6 =	sadd.s32 $0x3200, s9  }
0x10: {  	s7 =	sadd.s32 $0x8200, s9;
	s9 =	sadd.s32 $0x4000, s5;
	s10 =	sadd.s32 $0x8000, s5  }
0x11: {  	v0 =	vimm.f32 $0.0e+00;
	s11 =	sadd.s32 $0xC000, s5;
	s12 =	sadd.s32 $0x10000, s5;
	s13 =	sadd.s32 s0, s13  }
.LBB2_1:
0x12: {  	s0 =	sand.u32 $0xFE00, s3  }
0x13: {  	s31 =	sand.u32 $0x70, s3;
	s0 =	sshrl.u32 s0, $0x2  }
0x14: {  	s30 =	simm.s32 $0x40;
	s0 =	sor.u32 s31, s0;
	s31 =	simm.s32 $0x0  }
.LBB2_2:
0x15: {  	p0 =	sne.s32 s30, $0xFFC0  }
0x16: {  	[tilespmem:s0+$0x2800] =	vst v0;
	s31 =	sadd.s32 $0x10, s31;
	s0 =	smov.u32 s30;
	s30 =	sadd.s32 $0x40, s30  }
.Ltmp0:
0x17: {  	(pc) =	sbr.rel @p0 .LBB2_2-.Ltmp0, $4  }
0x18: {  	_ = 	snop  }
0x19: {  	s0 =	sand.u32 $0xFE00, s0  }
0x1a: {  	s1 =	sand.u32 $0x70, s31;
	s0 =	sshrl.u32 s0, $0x2  }
0x1b: {  	s0 =	sor.u32 s1, s0  }
0x1c: {  	[tilespmem:s0+$0x2800] =	vst v0  }
0x1d: {  	[spmem:s5] =	stream.linear.scatter [tilespmem:s14], [sflag:$0x5], $0x4000, $0x38;
	[tilespmem:$0x1E800] =	vst v63  }
0x1e: {  	_ =	swait.ge [sflag:s15], $0x4000  }
0x1f: {  	[sflag:s15] =	ssyncset.done $0x0  }
0x20: {  	[sflag:s15] =	ssyncadd.s32 $0xFFFFC000  }
0x21: {  	[spmem:s9] =	stream.linear.scatter [tilespmem:s14], [sflag:$0x5], $0x4000, $0x38;
	[tilespmem:$0x1E800] =	vst v63  }
0x22: {  	_ =	swait.ge [sflag:s15], $0x4000  }
0x23: {  	[sflag:s15] =	ssyncset.done $0x0  }
0x24: {  	[sflag:s15] =	ssyncadd.s32 $0xFFFFC000  }
0x25: {  	[spmem:s10] =	stream.linear.scatter [tilespmem:s14], [sflag:$0x5], $0x4000, $0x38;
	[tilespmem:$0x1E800] =	vst v63  }
0x26: {  	_ =	swait.ge [sflag:s15], $0x4000  }
0x27: {  	[sflag:s15] =	ssyncset.done $0x0  }
0x28: {  	[sflag:s15] =	ssyncadd.s32 $0xFFFFC000  }
0x29: {  	[spmem:s11] =	stream.linear.scatter [tilespmem:s14], [sflag:$0x5], $0x4000, $0x38;
	[tilespmem:$0x1E800] =	vst v63  }
0x2a: {  	_ =	swait.ge [sflag:s15], $0x4000  }
0x2b: {  	[sflag:s15] =	ssyncset.done $0x0  }
0x2c: {  	[sflag:s15] =	ssyncadd.s32 $0xFFFFC000  }
0x2d: {  	[spmem:s12] =	stream.linear.scatter [tilespmem:s14], [sflag:$0x5], $0x4000, $0x38;
	[tilespmem:$0x1E800] =	vst v63  }
0x2e: {  	_ =	swait.ge [sflag:s15], $0x4000  }
0x2f: {  	[sflag:s15] =	ssyncset.done $0x0  }
0x30: {  	[sflag:s15] =	ssyncadd.s32 $0xFFFFC000  }
0x31: {  	[tilespmem:s3], [sflag:$0x5] =	stream.linear.gather [hbm4b:s6+s3], $0x1400, $0x38;
	[tilespmem:$0x1E800] =	vst v63  }
0x32: {  	_ =	swait.ge [sflag:s15], $0x1400  }
0x33: {  	[sflag:s15] =	ssyncset.done $0x0  }
0x34: {  	[sflag:s15] =	ssyncadd.s32 $0xFFFFEC00  }
0x35: {  	[tilespmem:s16], [sflag:$0x5] =	stream.linear.gather [hbm4b:s7+s3], $0x1400, $0x38;
	[tilespmem:$0x1E800] =	vst v63  }
0x36: {  	_ =	swait.ge [sflag:s15], $0x1400  }
0x37: {  	[sflag:s15] =	ssyncset.done $0x0  }
0x38: {  	[sflag:s15] =	ssyncadd.s32 $0xFFFFEC00  }
0x39: {  	[bflag:$0x0] =	sbarrier.arrive $0xFFFF  }
0x3a: {  	[tilespmem:s14], [sflag:$0x1] =	stream.indirect.gather [hbm4b:s4+s17], $0x80, s3, s17, $0xb8;
	[tilespmem:$0x1E800] =	vst v63  }
0x3b: {  	_ = 	snop  }
0x3c: {  	[tilespmem:s18], [sflag:$0x2] =	stream.indirect.gather [hbm4b:s4+s17], $0x80, s17, s17, $0xb8;
	[tilespmem:$0x1E800] =	vst v63  }
0x3d: {  	_ =	swait.ge [sflag:s19], $0x4000  }
0x3e: {  	[sflag:s19] =	ssyncset.done $0x0  }
0x3f: {  	[sflag:s19] =	ssyncadd.s32 $0xFFFFC000  }
0x40: {  	[spmem:s2] =	stream.indirect.scatter.add.f32 [tilespmem:s14], [sflag:$0x3], $0x80, s16, s17, $0xb8;
	[tilespmem:$0x1E800] =	vst v63  }
0x41: {  	_ =	swait.ge [sflag:s20], $0x4000  }
0x42: {  	[sflag:s20] =	ssyncset.done $0x0  }
0x43: {  	[sflag:s20] =	ssyncadd.s32 $0xFFFFC000  }
0x44: {  	[tilespmem:s14], [sflag:$0x1] =	stream.indirect.gather [hbm4b:s4+s17], $0x80, s21, s17, $0xb8;
	[tilespmem:$0x1E800] =	vst v63  }
0x45: {  	_ =	swait.ge [sflag:s22], $0x4000  }
0x46: {  	[sflag:s22] =	ssyncset.done $0x0  }
0x47: {  	[sflag:s22] =	ssyncadd.s32 $0xFFFFC000  }
0x48: {  	[spmem:s2] =	stream.indirect.scatter.add.f32 [tilespmem:s18], [sflag:$0x4], $0x80, s23, s17, $0xb8;
	[tilespmem:$0x1E800] =	vst v63  }
0x49: {  	_ =	swait.ge [sflag:s24], $0x4000  }
0x4a: {  	[sflag:s24] =	ssyncset.done $0x0  }
0x4b: {  	s31 =	simm.s32 $0x180;
	[sflag:s24] =	ssyncadd.s32 $0xFFFFC000  }
0x4c: {  	[tilespmem:s18], [sflag:$0x2] =	stream.indirect.gather [hbm4b:s4+s17], $0x80, s31, s17, $0xb8;
	[tilespmem:$0x1E800] =	vst v63  }
0x4d: {  	_ =	swait.ge [sflag:s19], $0x4000  }
0x4e: {  	[sflag:s19] =	ssyncset.done $0x0  }
0x4f: {  	s1 =	simm.s32 $0x1500;
	[sflag:s19] =	ssyncadd.s32 $0xFFFFC000  }
0x50: {  	[spmem:s2] =	stream.indirect.scatter.add.f32 [tilespmem:s14], [sflag:$0x3], $0x80, s1, s17, $0xb8;
	[tilespmem:$0x1E800] =	vst v63  }
0x51: {  	_ =	swait.ge [sflag:s20], $0x4000  }
0x52: {  	[sflag:s20] =	ssyncset.done $0x0  }
0x53: {  	s31 =	simm.s32 $0x200;
	[sflag:s20] =	ssyncadd.s32 $0xFFFFC000  }
0x54: {  	[tilespmem:s14], [sflag:$0x1] =	stream.indirect.gather [hbm4b:s4+s17], $0x80, s31, s17, $0xb8;
	[tilespmem:$0x1E800] =	vst v63  }
0x55: {  	_ =	swait.ge [sflag:s22], $0x4000  }
0x56: {  	[sflag:s22] =	ssyncset.done $0x0  }
0x57: {  	s30 =	simm.s32 $0xFFFFBC00;
	s0 =	simm.s32 $0x1580;
	[sflag:s22] =	ssyncadd.s32 $0xFFFFC000  }
.LBB2_4:
0x58: {  	[spmem:s2] =	stream.indirect.scatter.add.f32 [tilespmem:s18], [sflag:$0x4], $0x80, s0, s17, $0xb8;
	[tilespmem:$0x1E800] =	vst v63  }
0x59: {  	s0 =	smov.u32 s30  }
0x5a: {  	p0 =	sne.s32 s30, $0xFFFFFC00;
	s30 =	sadd.s32 $0x400, s30;
	_ =	swait.ge [sflag:s24], $0x4000  }
0x5b: {  	s0 =	sshra.s32 s0, $0x2;
	[sflag:s24] =	ssyncset.done $0x0  }
0x5c: {  	s1 =	sadd.s32 $0x1380, s0;
	[sflag:s24] =	ssyncadd.s32 $0xFFFFC000  }
0x5d: {  	[tilespmem:s18], [sflag:$0x2] =	stream.indirect.gather [hbm4b:s4+s17], $0x80, s1, s17, $0xb8;
	[tilespmem:$0x1E800] =	vst v63  }
0x5e: {  	_ =	swait.ge [sflag:s19], $0x4000  }
0x5f: {  	[sflag:s19] =	ssyncset.done $0x0  }
0x60: {  	s1 =	sadd.s32 $0x2700, s0;
	[sflag:s19] =	ssyncadd.s32 $0xFFFFC000  }
0x61: {  	[spmem:s2] =	stream.indirect.scatter.add.f32 [tilespmem:s14], [sflag:$0x3], $0x80, s1, s17, $0xb8;
	[tilespmem:$0x1E800] =	vst v63  }
0x62: {  	_ =	swait.ge [sflag:s20], $0x4000  }
0x63: {  	[sflag:s20] =	ssyncset.done $0x0  }
.Ltmp1:
0x64: {  	s1 =	sadd.s32 $0x1400, s0;
	[sflag:s20] =	ssyncadd.s32 $0xFFFFC000;
	(pc) =	sbr.rel @p0 .LBB2_4-.Ltmp1, $4  }
0x65: {  	[tilespmem:s14], [sflag:$0x1] =	stream.indirect.gather [hbm4b:s4+s17], $0x80, s1, s17, $0xb8;
	[tilespmem:$0x1E800] =	vst v63  }
0x66: {  	_ =	swait.ge [sflag:s22], $0x4000  }
0x67: {  	[sflag:s22] =	ssyncset.done $0x0  }
0x68: {  	s0 =	sadd.s32 $0x2780, s0;
	[sflag:s22] =	ssyncadd.s32 $0xFFFFC000  }
0x69: {  	[spmem:s2] =	stream.indirect.scatter.add.f32 [tilespmem:s18], [sflag:$0x4], $0x80, s0, s17, $0xb8;
	[tilespmem:$0x1E800] =	vst v63  }
0x6a: {  	_ =	swait.ge [sflag:s24], $0x4000  }
0x6b: {  	[sflag:s24] =	ssyncset.done $0x0  }
0x6c: {  	[sflag:s24] =	ssyncadd.s32 $0xFFFFC000  }
0x6d: {  	[tilespmem:s18], [sflag:$0x2] =	stream.indirect.gather [hbm4b:s4+s17], $0x80, s25, s17, $0xb8;
	[tilespmem:$0x1E800] =	vst v63  }
0x6e: {  	_ =	swait.ge [sflag:s19], $0x4000  }
0x6f: {  	[sflag:s19] =	ssyncset.done $0x0  }
0x70: {  	[sflag:s19] =	ssyncadd.s32 $0xFFFFC000  }
0x71: {  	[spmem:s2] =	stream.indirect.scatter.add.f32 [tilespmem:s14], [sflag:$0x3], $0x80, s26, s17, $0xb8;
	[tilespmem:$0x1E800] =	vst v63  }
0x72: {  	_ =	swait.ge [sflag:s22], $0x4000  }
0x73: {  	[sflag:s22] =	ssyncset.done $0x0  }
0x74: {  	[sflag:s22] =	ssyncadd.s32 $0xFFFFC000  }
0x75: {  	[spmem:s2] =	stream.indirect.scatter.add.f32 [tilespmem:s18], [sflag:$0x4], $0x80, s28, s17, $0xb8;
	[tilespmem:$0x1E800] =	vst v63  }
0x76: {  	_ =	swait.ge [sflag:s20], $0x4000  }
0x77: {  	[sflag:s20] =	ssyncset.done $0x0  }
0x78: {  	[sflag:s20] =	ssyncadd.s32 $0xFFFFC000  }
0x79: {  	s31 =	stileid.u32;
	_ =	swait.ge [sflag:s24], $0x4000  }
0x7a: {  	s1 =	sshrl.u32 s5, $0x3;
	s29 =	sadd.s32 $0x1, s29;
	[sflag:s24] =	ssyncset.done $0x0  }
0x7b: {  	s0 =	sshll.u32 s31, $0x6;
	p0 =	sne.s32 s29, s8;
	[sflag:s24] =	ssyncadd.s32 $0xFFFFC000  }
.Ltmp2:
0x7c: {  	s0 =	sor.u32 $0x1C05, s0;
	[bflag:$0x0] =	sbarrier.arrive $0xFFFF;
	(pc) =	sbr.rel @p0 .LBB2_1-.Ltmp2, $4  }
0x7d: {  	[hbm:s13], [sflag:s0] =	dma.local [spmem:s1], $0x2800  }
0x7e: {  	_ =	swait.ge [sflag:s15], $0x2800  }
0x7f: {  	[sflag:s15] =	ssyncset.done $0x0  }
0x80: {  	[sflag:s15] =	ssyncadd.s32 $0xFFFFD800  }
0x81: {  	_ =	sfence.sel $0x180000  }
0x82: {  	[bflag:$0x0] =	sbarrier.arrive $0xFFFF  }
0x83: {  	_ =	strace $0x9000004A  }
0x84: {  	s0 =	stileid.u32;
	[bflag:$0x2] =	sbarrier.arrive $0xFFFF  }
0x85: {  	p0 =	sne.s32 s0, $0x0;
	s0 =	rddreg [dreg:$0x2]  }
0x86: {  	s0 =	sadd.s32 @!p0 $0x100000, s0  }
0x87: {  	[sflag:s0] =	ssyncadd.tile.s32 @!p0 $0x1;
	_ =	shalt  }
.Lfunc_end2:
_tile_overlayer_lowered:
.L_overlay_start_2:
0x88: {  	(tag) =	ssettag $0x2  }
0x89: {  	s0 =	rddreg [dreg:$0x0];
	s2 =	stileid.u32  }
0x8a: {  	s1 =	rddreg [dreg:$0x1];
	p0 =	sne.s32 s2, $0x0  }
0x8b: {  	s3 =	rddreg [dreg:$0x2];
	[bflag:$0x3] =	sbarrier.arrive $0xFFFF;
	s2 =	simm.s32 @!p0 $0x1C05  }
0x8c: {  	[timem:s3], [sflag:s2] =	dma.local @!p0 [hbm:s0], s1  }
0x8d: {  	s0 =	simm.s32 @!p0 $0x5  }
0x8e: {  	_ =	swait.ge @!p0 [sflag:s0], s1  }
0x8f: {  	s1 =	ssub.s32 @!p0 $0x0, s1;
	[sflag:s0] =	ssyncset.done @!p0 $0x0  }
0x90: {  	[sflag:s0] =	ssyncadd.s32 @!p0 s1  }
0x91: {  	[bflag:$0x3] =	sbarrier.arrive $0xFFFF  }
0x92: {  	_ =	shalt  }

// kernel: kernel.14.cloned.1.call-start
scs
__scs_entry_jumppad:
0x0: {  	(pc) =	sbr.rel $0x88, $3  }
0x1: {  	(tag) =	ssettag $0x0;
	lr =	simm.s32 $0x1  }
0x2: {  	[smem:$0x3F97] =	sst lr;
	_ =	strace $0xD0000000  }
0x3: {  	_ = 	snop  }
0x4: {  	_ = 	snop  }
0x5: {  	_ = 	snop  }
0x6: {  	_ = 	snop  }
0x7: {  	_ = 	snop  }
__scs_overlays_trampoline_lowered:
0x8: {  	[smem:$0x3FA6] =	sst s0  }
0x9: {  	[smem:$0x3FA7] =	sst s1  }
0xa: {  	[smem:$0x3FA8] =	sst s2  }
0xb: {  	[smem:$0x3FA9] =	sst s3  }
0xc: {  	[smem:$0x3FAA] =	sst s4  }
0xd: {  	[smem:$0x3FAB] =	sst s5  }
0xe: {  	[smem:$0x3FAC] =	sst s6  }
0xf: {  	[smem:$0x3FAD] =	sst s7  }
0x10: {  	[smem:$0x3FAE] =	sst s8  }
0x11: {  	[smem:$0x3FAF] =	sst s9;
	s0 =	simm.s32 @!p0 $0x0  }
0x12: {  	s1 =	sld [smem:$0x3F95];
	s0 =	simm.s32 @p0 $0x1  }
0x13: {  	[smem:$0x3FB0] =	sst s0;
	s0 =	simm.s32 @!p1 $0x0  }
0x14: {  	s2 =	sld [smem:$0x3F94];
	s0 =	simm.s32 @p1 $0x1  }
0x15: {  	[smem:$0x3FB1] =	sst s0;
	s0 =	simm.s32 @!p2 $0x0  }
0x16: {  	s3 =	sld [smem:$0x3FDB];
	s0 =	simm.s32 @p2 $0x1  }
0x17: {  	s4 =	simm.s32 $0x1BF5;
	[smem:$0x3FB3] =	sst s0  }
0x18: {  	s0 =	sld [smem:$0x3F96];
	_ =	swait.ge [sflag:s4], $0x0  }
0x19: {  	s7 =	sld [smem:$0x3F97]  }
0x1a: {  	s8 =	sadd.s32 $0xFFFFE003, lr  }
0x1b: {  	s9 =	sadd.s32 $0xFFFFFEF7, lr;
	s5 =	simm.s32 $0xFFFFFFFF;
	p2 =	slt.u32 s8, $0xFFFFF086  }
0x1c: {  	p1 =	slt.u32 s9, $0xF7A;
	s5 =	simm.s32 @!p2 $0x0  }
0x1d: {  	s5 =	simm.s32 @p1 $0x1;
	p0 =	seq.s32 s7, s2  }
0x1e: {  	s7 =	smul.u32 @!p0 $0xF7A, s2;
	p2 =	seq.s32 @!p0 s5, $0x0  }
0x1f: {  	s9 =	smul.u32 $0xF7A, s1;
	s8 =	simm.s32 @!p0 $0x1BF5;
	p2 =	por !p2, p0  }
0x20: {  	[sflag:s8] =	ssyncset.s32 @!p0 $0xFFFFF086;
	s6 =	sadd.s32 @!p0 s3, s7;
	s7 =	simm.s32 @!p0 $0x108  }
0x21: {  	s3 =	sadd.s32 s3, s9;
	s6 =	sadd.s32 @!p0 $0x88, s6;
	s7 =	simm.s32 @p2 $0x1082  }
0x22: {  	[simem:s7], [sflag:s8] =	dma.local @!p0 [hbm:s6], $0xF7A  }
0x23: {  	s9 =	sor.u32 $0xD0000000, s2;
	s6 =	simm.s32 $0x108;
	_ =	swait.ge @!p0 [sflag:s8], $0x0  }
0x24: {  	s3 =	sadd.s32 $0x88, s3;
	s6 =	simm.s32 @!p1 $0x1082;
	[sflag:s4] =	ssyncset.s32 $0xFFFFF086  }
0x25: {  	[simem:s6], [sflag:s4] =	dma.local [hbm:s3], $0xF7A  }
0x26: {  	[smem:$0x3F97] =	sst s1;
	(tag) =	ssettag s2;
	_ =	strace s9  }
0x27: {  	s1 =	sld [smem:$0x3FA7]  }
0x28: {  	s2 =	sld [smem:$0x3FA8]  }
0x29: {  	s4 =	sld [smem:$0x3FAA]  }
0x2a: {  	p0 =	seq.s32 s5, $0x0;
	s5 =	sld [smem:$0x3FAB]  }
0x2b: {  	s6 =	sld [smem:$0x3FAC]  }
0x2c: {  	s7 =	sld [smem:$0x3FAD]  }
0x2d: {  	s3 =	simm.s32 $0x108;
	s8 =	sld [smem:$0x3FAE]  }
0x2e: {  	s3 =	simm.s32 @!p0 $0x1082;
	s9 =	sld [smem:$0x3FAF]  }
0x2f: {  	lr =	sadd.s32 s0, s3;
	s0 =	sld [smem:$0x3FA6]  }
0x30: {  	s3 =	sld [smem:$0x3FA9]  }
0x31: {  	[smem:$0x3FB2] =	sst s10  }
0x32: {  	s10 =	sld [smem:$0x3FB0];
	_ =	sdelay $0x3  }
0x33: {  	p0 =	seq.s32 s10, $0x1;
	s10 =	sld [smem:$0x3FB2];
	_ =	sdelay $0x3  }
0x34: {  	[smem:$0x3FB2] =	sst s10  }
0x35: {  	s10 =	sld [smem:$0x3FB1];
	_ =	sdelay $0x3  }
0x36: {  	p1 =	seq.s32 s10, $0x1;
	s10 =	sld [smem:$0x3FB2];
	_ =	sdelay $0x3  }
0x37: {  	[smem:$0x3FB2] =	sst s10  }
0x38: {  	s10 =	sld [smem:$0x3FB3]  }
0x39: {  	_ = 	snop;
	(pc) =	sbr.ind lr, $3  }
0x3a: {  	_ = 	snop  }
0x3b: {  	_ = 	snop  }
0x3c: {  	p2 =	seq.s32 s10, $0x1;
	s10 =	sld [smem:$0x3FB2]  }
0x3d: {  	_ =	shalt  }
0x3e: {  	_ =	shalt  }
0x3f: {  	_ =	shalt  }
0x40: {  	_ =	shalt  }
0x41: {  	_ =	shalt  }
0x42: {  	_ =	shalt  }
0x43: {  	_ =	shalt  }
0x44: {  	_ =	shalt  }
0x45: {  	_ =	shalt  }
0x46: {  	_ =	shalt  }
0x47: {  	_ =	shalt  }
0x48: {  	_ =	shalt  }
0x49: {  	_ =	shalt  }
0x4a: {  	_ =	shalt  }
0x4b: {  	_ =	shalt  }
0x4c: {  	_ =	shalt  }
0x4d: {  	_ =	shalt  }
0x4e: {  	_ =	shalt  }
0x4f: {  	_ =	shalt  }
0x50: {  	_ =	shalt  }
0x51: {  	_ =	shalt  }
0x52: {  	_ =	shalt  }
0x53: {  	_ =	shalt  }
0x54: {  	_ =	shalt  }
0x55: {  	_ =	shalt  }
0x56: {  	_ =	shalt  }
0x57: {  	_ =	shalt  }
0x58: {  	_ =	shalt  }
0x59: {  	_ =	shalt  }
0x5a: {  	_ =	shalt  }
0x5b: {  	_ =	shalt  }
0x5c: {  	_ =	shalt  }
0x5d: {  	_ =	shalt  }
0x5e: {  	_ =	shalt  }
0x5f: {  	_ =	shalt  }
0x60: {  	_ =	shalt  }
0x61: {  	_ =	shalt  }
0x62: {  	_ =	shalt  }
0x63: {  	_ =	shalt  }
0x64: {  	_ =	shalt  }
0x65: {  	_ =	shalt  }
0x66: {  	_ =	shalt  }
0x67: {  	_ =	shalt  }
0x68: {  	_ =	shalt  }
0x69: {  	_ =	shalt  }
0x6a: {  	_ =	shalt  }
0x6b: {  	_ =	shalt  }
0x6c: {  	_ =	shalt  }
0x6d: {  	_ =	shalt  }
0x6e: {  	_ =	shalt  }
0x6f: {  	_ =	shalt  }
0x70: {  	_ =	shalt  }
0x71: {  	_ =	shalt  }
0x72: {  	_ =	shalt  }
0x73: {  	_ =	shalt  }
0x74: {  	_ =	shalt  }
0x75: {  	_ =	shalt  }
0x76: {  	_ =	shalt  }
0x77: {  	_ =	shalt  }
0x78: {  	_ =	shalt  }
0x79: {  	_ =	shalt  }
0x7a: {  	_ =	shalt  }
0x7b: {  	_ =	shalt  }
0x7c: {  	_ =	shalt  }
0x7d: {  	_ =	shalt  }
0x7e: {  	_ =	shalt  }
0x7f: {  	_ =	shalt  }
0x80: {  	_ =	shalt  }
0x81: {  	_ =	shalt  }
0x82: {  	_ =	shalt  }
0x83: {  	_ =	shalt  }
0x84: {  	_ =	shalt  }
0x85: {  	_ =	shalt  }
0x86: {  	_ =	shalt  }
0x87: {  	_ =	shalt  }
.Lfunc_end0:
.L_simem_size_0:
called_computation.2_lowered:
.L_overlay_start_0:
0x88: {  	s2 =	sld [smem:$0x3FD9]  }
0x89: {  	s3 =	sld [smem:$0x3FFE];
	_ =	sdelay $0x1  }
0x8a: {  	s1 =	srdreg.scid  }
0x8b: {  	s0 =	sand.u32 $0x1, s1  }
0x8c: {  	s16 =	sshll.u32 s0, $0xA;
	s2 =	sadd.s32 s3, s2  }
0x8d: {  	s2 =	sadd.s32 s2, s16  }
0x8e: {  	[smem:$0x3FBE] =	sst s2  }
0x8f: {  	_ = 	snop  }
0x90: {  	(tm) =	ssettm $0x1  }
0x91: {  	s17 =	sld [smem:$0x3FFB];
	_ =	sdelay $0x3  }
0x92: {  	_ =	strace s17  }
0x93: {  	s2 =	sld [smem:$0x3FFC];
	_ =	sdelay $0x3  }
0x94: {  	_ =	strace s2  }
0x95: {  	s2 =	sld [smem:$0x3FFD];
	_ =	sdelay $0x3  }
0x96: {  	_ =	strace s2  }
0x97: {  	_ =	strace $0x8FFFFFFF  }
0x98: {  	s18 =	sld [smem:$0x3FDB];
	_ =	sdelay $0x1  }
0x99: {  	s19 =	simm.s32 $_scs_section_size  }
0x9a: {  	s4 =	simm.s32 $_size__tile_overlayer_lowered;
	s5 =	simm.s32 $_tile_overlayer_lowered  }
0x9b: {  	s22 =	simm.s32 $0x1BFF;
	s21 =	sshll.u32 s5, $0x1;
	s2 =	sadd.s32 s19, s18  }
0x9c: {  	s6 =	simm.s32 $0x0;
	s20 =	sshll.u32 s4, $0x1;
	s4 =	sadd.s32 s21, s2  }
0x9d: {  	[timem:s6], [sflag:s22] =	dma.local [hbm:s4], s20  }
0x9e: {  	_ =	swait.ge [sflag:s22], s20  }
0x9f: {  	s3 =	ssub.s32 $0x0, s20;
	[sflag:s22] =	ssyncset.done $0x0  }
0xa0: {  	[sflag:s22] =	ssyncadd.s32 s3;
	_ =	sdelay $0x1  }
0xa1: {  	s23 =	simm.s32 $0x1B8B  }
0xa2: {  	_ =	swait.ge [sflag:s23], $0x1  }
0xa3: {  	[sflag:s23] =	ssyncset.done $0x0  }
0xa4: {  	s25 =	simm.s32 $0x1B8E;
	s24 =	sld [smem:$0x3FFE];
	[sflag:s23] =	ssyncadd.s32 $0xFFFFFFFF  }
0xa5: {  	s26 =	simm.s32 $execute0_lowered;
	[smem:$0x3FD2] =	sst s25  }
0xa6: {  	s4 =	sshll.u32 s26, $0x1;
	_ =	strace $0x8000004C;
	[dreg:$0x1] =	wrdreg $0xFFFFFFFF  }
0xa7: {  	s28 =	simm.s32 $_size_execute0_lowered;
	s2 =	sadd.s32 s2, s4;
	[dreg:$0x0] =	wrdreg $0x0  }
0xa8: {  	s4 =	sshll.u32 s28, $0x1;
	[dreg:$0x2] =	wrdreg s2  }
0xa9: {  	[dreg:$0x3] =	wrdreg s4  }
0xaa: {  	[dreg:$0x4] =	wrdreg $0xC0  }
0xab: {  	_ =	task [dreg:s6], $0x5FFFF  }
0xac: {  	[dreg:$0x1] =	wrdreg $0xFFFFFFFF  }
0xad: {  	[dreg:$0x0] =	wrdreg $0x60  }
0xae: {  	[dreg:$0x2] =	wrdreg s24  }
0xaf: {  	[dreg:$0x3] =	wrdreg $0xA8000  }
0xb0: {  	[dreg:$0x4] =	wrdreg $0x9  }
0xb1: {  	_ =	task.clear_ibuf [dreg:s6], $0x5FFFF;
	_ =	strace $0x9000004C  }
0xb2: {  	s29 =	simm.s32 $0x9;
	_ =	strace $0x8000004E  }
0xb3: {  	_ =	swait.ge [sflag:s29], $0x1  }
0xb4: {  	[sflag:s29] =	ssyncadd.s32 $0xFFFFFFFF  }
0xb5: {  	_ =	strace $0x9000004E  }
0xb6: {  	_ =	sfence  }
0xb7: {  	s30 =	sld [smem:$0x0];
	_ =	sdelay $0x2  }
0xb8: {  	s31 =	sshll.u32 s1, $0xD;
	s1 =	sshrl.u32 s1, $0x2  }
0xb9: {  	s3 =	sand.u32 $0x4000, s31;
	s1 =	sadd.s32 s1, s30  }
0xba: {  	s0 =	sor.u32 s3, s0;
	s1 =	sshll.u32 s1, $0x11  }
0xbb: {  	s0 =	sor.u32 s1, s0  }
0xbc: {  	s0 =	sadd.s32 $0x8F2B, s0  }
0xbd: {  	[sflag:s0] =	ssyncadd.remote.s32 $0x1  }
0xbe: {  	_ =	sfence.sel $0xFFFF  }
0xbf: {  	[dreg:$0x0] =	wrdreg $0xFFFFFFFF;
	(pc) =	sbr.abs _section_cstart, $3  }
0xc0: {  	[dreg:$0x1] =	wrdreg $0xFFFFFFFF  }
0xc1: {  	_ =	task.clear_ibuf [dreg:s6], $0x2FFFF;
	_ =	strace $0x9FFFFFFF  }
0xc2: {  	(tm) =	ssettm $0x7FFFFFFF  }
0xc3: {  	_ =	shalt  }
tec
execute0_lowered:
.L_overlay_start_1:
0x0: {  	(tag) =	ssettag $0x1  }
0x1: {  	s0 =	rddreg [dreg:$0x0]  }
0x2: {  	s1 =	srdreg.scid;
	s2 =	rddreg [dreg:$0x1]  }
0x3: {  	s30 =	stileid.u32;
	s3 =	simm.s32 $0x0;
	s11 =	simm.s32 $0x5D200  }
0x4: {  	s14 =	simm.s32 $0x2800;
	s15 =	simm.s32 $0x5;
	s16 =	simm.s32 $0x1400  }
0x5: {  	s17 =	simm.s32 $0x80;
	s18 =	simm.s32 $0x6800;
	s19 =	simm.s32 $0x1  }
0x6: {  	s20 =	simm.s32 $0x3;
	s21 =	simm.s32 $0x100;
	s22 =	simm.s32 $0x2  }
0x7: {  	s23 =	simm.s32 $0x1480;
	s24 =	simm.s32 $0x4;
	s5 =	smul.u32 $0x28, s30  }
0x8: {  	s25 =	simm.s32 $0x1380;
	s26 =	simm.s32 $0x2700;
	s6 =	smul.u32 $0x50000, s30  }
0x9: {  	s28 =	simm.s32 $0x2780;
	s8 =	sand.u32 $0x1, s1;
	s13 =	smul.u32 $0x2800, s30  }
0xa: {  	s29 =	simm.s32 $0x0;
	[smem:$0x7FF] =	sst s3;
	s4 =	smul.u32 $0x280, s8  }
0xb: {  	_ =	strace $0x8000004D;
	s7 =	ssub.s32 $0x2, s8;
	p0 =	seq.s32 s8, $0x1  }
0xc: {  	s31 =	sshrl.u32 s7, $0x1;
	s6 =	sshrl.u32 s6, $0x2;
	s5 =	sadd.s32 s5, s4  }
0xd: {  	s11 =	simm.s32 @!p0 $0x35200;
	s10 =	ssub.s32 s7, s31;
	s5 =	sshll.u32 s5, $0x4  }
0xe: {  	s4 =	sadd.s32 $0xD200, s0;
	s8 =	smax.u32 s10, $0x1;
	s9 =	sadd.s32 s5, s0  }
0xf: {  	s5 =	sadd.s32 s6, s2;
	s0 =	sadd.s32 s11, s0;
	s6 =	sadd.s32 $0x3200, s9  }
0x10: {  	s7 =	sadd.s32 $0x8200, s9;
	s9 =	sadd.s32 $0x4000, s5;
	s10 =	sadd.s32 $0x8000, s5  }
0x11: {  	v0 =	vimm.f32 $0.0e+00;
	s11 =	sadd.s32 $0xC000, s5;
	s12 =	sadd.s32 $0x10000, s5;
	s13 =	sadd.s32 s0, s13  }
.LBB2_1:
0x12: {  	s0 =	sand.u32 $0xFE00, s3  }
0x13: {  	s31 =	sand.u32 $0x70, s3;
	s0 =	sshrl.u32 s0, $0x2  }
0x14: {  	s30 =	simm.s32 $0x40;
	s0 =	sor.u32 s31, s0;
	s31 =	simm.s32 $0x0  }
.LBB2_2:
0x15: {  	p0 =	sne.s32 s30, $0xFFC0  }
0x16: {  	[tilespmem:s0+$0x2800] =	vst v0;
	s31 =	sadd.s32 $0x10, s31;
	s0 =	smov.u32 s30;
	s30 =	sadd.s32 $0x40, s30  }
.Ltmp0:
0x17: {  	(pc) =	sbr.rel @p0 .LBB2_2-.Ltmp0, $4  }
0x18: {  	_ = 	snop  }
0x19: {  	s0 =	sand.u32 $0xFE00, s0  }
0x1a: {  	s1 =	sand.u32 $0x70, s31;
	s0 =	sshrl.u32 s0, $0x2  }
0x1b: {  	s0 =	sor.u32 s1, s0  }
0x1c: {  	[tilespmem:s0+$0x2800] =	vst v0  }
0x1d: {  	[spmem:s5] =	stream.linear.scatter [tilespmem:s14], [sflag:$0x5], $0x4000, $0x38;
	[tilespmem:$0x1E800] =	vst v63  }
0x1e: {  	_ =	swait.ge [sflag:s15], $0x4000  }
0x1f: {  	[sflag:s15] =	ssyncset.done $0x0  }
0x20: {  	[sflag:s15] =	ssyncadd.s32 $0xFFFFC000  }
0x21: {  	[spmem:s9] =	stream.linear.scatter [tilespmem:s14], [sflag:$0x5], $0x4000, $0x38;
	[tilespmem:$0x1E800] =	vst v63  }
0x22: {  	_ =	swait.ge [sflag:s15], $0x4000  }
0x23: {  	[sflag:s15] =	ssyncset.done $0x0  }
0x24: {  	[sflag:s15] =	ssyncadd.s32 $0xFFFFC000  }
0x25: {  	[spmem:s10] =	stream.linear.scatter [tilespmem:s14], [sflag:$0x5], $0x4000, $0x38;
	[tilespmem:$0x1E800] =	vst v63  }
0x26: {  	_ =	swait.ge [sflag:s15], $0x4000  }
0x27: {  	[sflag:s15] =	ssyncset.done $0x0  }
0x28: {  	[sflag:s15] =	ssyncadd.s32 $0xFFFFC000  }
0x29: {  	[spmem:s11] =	stream.linear.scatter [tilespmem:s14], [sflag:$0x5], $0x4000, $0x38;
	[tilespmem:$0x1E800] =	vst v63  }
0x2a: {  	_ =	swait.ge [sflag:s15], $0x4000  }
0x2b: {  	[sflag:s15] =	ssyncset.done $0x0  }
0x2c: {  	[sflag:s15] =	ssyncadd.s32 $0xFFFFC000  }
0x2d: {  	[spmem:s12] =	stream.linear.scatter [tilespmem:s14], [sflag:$0x5], $0x4000, $0x38;
	[tilespmem:$0x1E800] =	vst v63  }
0x2e: {  	_ =	swait.ge [sflag:s15], $0x4000  }
0x2f: {  	[sflag:s15] =	ssyncset.done $0x0  }
0x30: {  	[sflag:s15] =	ssyncadd.s32 $0xFFFFC000  }
0x31: {  	[tilespmem:s3], [sflag:$0x5] =	stream.linear.gather [hbm4b:s6+s3], $0x1400, $0x38;
	[tilespmem:$0x1E800] =	vst v63  }
0x32: {  	_ =	swait.ge [sflag:s15], $0x1400  }
0x33: {  	[sflag:s15] =	ssyncset.done $0x0  }
0x34: {  	[sflag:s15] =	ssyncadd.s32 $0xFFFFEC00  }
0x35: {  	[tilespmem:s16], [sflag:$0x5] =	stream.linear.gather [hbm4b:s7+s3], $0x1400, $0x38;
	[tilespmem:$0x1E800] =	vst v63  }
0x36: {  	_ =	swait.ge [sflag:s15], $0x1400  }
0x37: {  	[sflag:s15] =	ssyncset.done $0x0  }
0x38: {  	[sflag:s15] =	ssyncadd.s32 $0xFFFFEC00  }
0x39: {  	[bflag:$0x0] =	sbarrier.arrive $0xFFFF  }
0x3a: {  	[tilespmem:s14], [sflag:$0x1] =	stream.indirect.gather [hbm4b:s4+s17], $0x80, s3, s17, $0xb8;
	[tilespmem:$0x1E800] =	vst v63  }
0x3b: {  	_ = 	snop  }
0x3c: {  	[tilespmem:s18], [sflag:$0x2] =	stream.indirect.gather [hbm4b:s4+s17], $0x80, s17, s17, $0xb8;
	[tilespmem:$0x1E800] =	vst v63  }
0x3d: {  	_ =	swait.ge [sflag:s19], $0x4000  }
0x3e: {  	[sflag:s19] =	ssyncset.done $0x0  }
0x3f: {  	[sflag:s19] =	ssyncadd.s32 $0xFFFFC000  }
0x40: {  	[spmem:s2] =	stream.indirect.scatter.add.f32 [tilespmem:s14], [sflag:$0x3], $0x80, s16, s17, $0xb8;
	[tilespmem:$0x1E800] =	vst v63  }
0x41: {  	_ =	swait.ge [sflag:s20], $0x4000  }
0x42: {  	[sflag:s20] =	ssyncset.done $0x0  }
0x43: {  	[sflag:s20] =	ssyncadd.s32 $0xFFFFC000  }
0x44: {  	[tilespmem:s14], [sflag:$0x1] =	stream.indirect.gather [hbm4b:s4+s17], $0x80, s21, s17, $0xb8;
	[tilespmem:$0x1E800] =	vst v63  }
0x45: {  	_ =	swait.ge [sflag:s22], $0x4000  }
0x46: {  	[sflag:s22] =	ssyncset.done $0x0  }
0x47: {  	[sflag:s22] =	ssyncadd.s32 $0xFFFFC000  }
0x48: {  	[spmem:s2] =	stream.indirect.scatter.add.f32 [tilespmem:s18], [sflag:$0x4], $0x80, s23, s17, $0xb8;
	[tilespmem:$0x1E800] =	vst v63  }
0x49: {  	_ =	swait.ge [sflag:s24], $0x4000  }
0x4a: {  	[sflag:s24] =	ssyncset.done $0x0  }
0x4b: {  	s31 =	simm.s32 $0x180;
	[sflag:s24] =	ssyncadd.s32 $0xFFFFC000  }
0x4c: {  	[tilespmem:s18], [sflag:$0x2] =	stream.indirect.gather [hbm4b:s4+s17], $0x80, s31, s17, $0xb8;
	[tilespmem:$0x1E800] =	vst v63  }
0x4d: {  	_ =	swait.ge [sflag:s19], $0x4000  }
0x4e: {  	[sflag:s19] =	ssyncset.done $0x0  }
0x4f: {  	s1 =	simm.s32 $0x1500;
	[sflag:s19] =	ssyncadd.s32 $0xFFFFC000  }
0x50: {  	[spmem:s2] =	stream.indirect.scatter.add.f32 [tilespmem:s14], [sflag:$0x3], $0x80, s1, s17, $0xb8;
	[tilespmem:$0x1E800] =	vst v63  }
0x51: {  	_ =	swait.ge [sflag:s20], $0x4000  }
0x52: {  	[sflag:s20] =	ssyncset.done $0x0  }
0x53: {  	s31 =	simm.s32 $0x200;
	[sflag:s20] =	ssyncadd.s32 $0xFFFFC000  }
0x54: {  	[tilespmem:s14], [sflag:$0x1] =	stream.indirect.gather [hbm4b:s4+s17], $0x80, s31, s17, $0xb8;
	[tilespmem:$0x1E800] =	vst v63  }
0x55: {  	_ =	swait.ge [sflag:s22], $0x4000  }
0x56: {  	[sflag:s22] =	ssyncset.done $0x0  }
0x57: {  	s30 =	simm.s32 $0xFFFFBC00;
	s0 =	simm.s32 $0x1580;
	[sflag:s22] =	ssyncadd.s32 $0xFFFFC000  }
.LBB2_4:
0x58: {  	[spmem:s2] =	stream.indirect.scatter.add.f32 [tilespmem:s18], [sflag:$0x4], $0x80, s0, s17, $0xb8;
	[tilespmem:$0x1E800] =	vst v63  }
0x59: {  	s0 =	smov.u32 s30  }
0x5a: {  	p0 =	sne.s32 s30, $0xFFFFFC00;
	s30 =	sadd.s32 $0x400, s30;
	_ =	swait.ge [sflag:s24], $0x4000  }
0x5b: {  	s0 =	sshra.s32 s0, $0x2;
	[sflag:s24] =	ssyncset.done $0x0  }
0x5c: {  	s1 =	sadd.s32 $0x1380, s0;
	[sflag:s24] =	ssyncadd.s32 $0xFFFFC000  }
0x5d: {  	[tilespmem:s18], [sflag:$0x2] =	stream.indirect.gather [hbm4b:s4+s17], $0x80, s1, s17, $0xb8;
	[tilespmem:$0x1E800] =	vst v63  }
0x5e: {  	_ =	swait.ge [sflag:s19], $0x4000  }
0x5f: {  	[sflag:s19] =	ssyncset.done $0x0  }
0x60: {  	s1 =	sadd.s32 $0x2700, s0;
	[sflag:s19] =	ssyncadd.s32 $0xFFFFC000  }
0x61: {  	[spmem:s2] =	stream.indirect.scatter.add.f32 [tilespmem:s14], [sflag:$0x3], $0x80, s1, s17, $0xb8;
	[tilespmem:$0x1E800] =	vst v63  }
0x62: {  	_ =	swait.ge [sflag:s20], $0x4000  }
0x63: {  	[sflag:s20] =	ssyncset.done $0x0  }
.Ltmp1:
0x64: {  	s1 =	sadd.s32 $0x1400, s0;
	[sflag:s20] =	ssyncadd.s32 $0xFFFFC000;
	(pc) =	sbr.rel @p0 .LBB2_4-.Ltmp1, $4  }
0x65: {  	[tilespmem:s14], [sflag:$0x1] =	stream.indirect.gather [hbm4b:s4+s17], $0x80, s1, s17, $0xb8;
	[tilespmem:$0x1E800] =	vst v63  }
0x66: {  	_ =	swait.ge [sflag:s22], $0x4000  }
0x67: {  	[sflag:s22] =	ssyncset.done $0x0  }
0x68: {  	s0 =	sadd.s32 $0x2780, s0;
	[sflag:s22] =	ssyncadd.s32 $0xFFFFC000  }
0x69: {  	[spmem:s2] =	stream.indirect.scatter.add.f32 [tilespmem:s18], [sflag:$0x4], $0x80, s0, s17, $0xb8;
	[tilespmem:$0x1E800] =	vst v63  }
0x6a: {  	_ =	swait.ge [sflag:s24], $0x4000  }
0x6b: {  	[sflag:s24] =	ssyncset.done $0x0  }
0x6c: {  	[sflag:s24] =	ssyncadd.s32 $0xFFFFC000  }
0x6d: {  	[tilespmem:s18], [sflag:$0x2] =	stream.indirect.gather [hbm4b:s4+s17], $0x80, s25, s17, $0xb8;
	[tilespmem:$0x1E800] =	vst v63  }
0x6e: {  	_ =	swait.ge [sflag:s19], $0x4000  }
0x6f: {  	[sflag:s19] =	ssyncset.done $0x0  }
0x70: {  	[sflag:s19] =	ssyncadd.s32 $0xFFFFC000  }
0x71: {  	[spmem:s2] =	stream.indirect.scatter.add.f32 [tilespmem:s14], [sflag:$0x3], $0x80, s26, s17, $0xb8;
	[tilespmem:$0x1E800] =	vst v63  }
0x72: {  	_ =	swait.ge [sflag:s22], $0x4000  }
0x73: {  	[sflag:s22] =	ssyncset.done $0x0  }
0x74: {  	[sflag:s22] =	ssyncadd.s32 $0xFFFFC000  }
0x75: {  	[spmem:s2] =	stream.indirect.scatter.add.f32 [tilespmem:s18], [sflag:$0x4], $0x80, s28, s17, $0xb8;
	[tilespmem:$0x1E800] =	vst v63  }
0x76: {  	_ =	swait.ge [sflag:s20], $0x4000  }
0x77: {  	[sflag:s20] =	ssyncset.done $0x0  }
0x78: {  	[sflag:s20] =	ssyncadd.s32 $0xFFFFC000  }
0x79: {  	s31 =	stileid.u32;
	_ =	swait.ge [sflag:s24], $0x4000  }
0x7a: {  	s1 =	sshrl.u32 s5, $0x3;
	s29 =	sadd.s32 $0x1, s29;
	[sflag:s24] =	ssyncset.done $0x0  }
0x7b: {  	s0 =	sshll.u32 s31, $0x6;
	p0 =	sne.s32 s29, s8;
	[sflag:s24] =	ssyncadd.s32 $0xFFFFC000  }
.Ltmp2:
0x7c: {  	s0 =	sor.u32 $0x1C05, s0;
	[bflag:$0x0] =	sbarrier.arrive $0xFFFF;
	(pc) =	sbr.rel @p0 .LBB2_1-.Ltmp2, $4  }
0x7d: {  	[hbm:s13], [sflag:s0] =	dma.local [spmem:s1], $0x2800  }
0x7e: {  	_ =	swait.ge [sflag:s15], $0x2800  }
0x7f: {  	[sflag:s15] =	ssyncset.done $0x0  }
0x80: {  	[sflag:s15] =	ssyncadd.s32 $0xFFFFD800  }
0x81: {  	_ =	sfence.sel $0x180000  }
0x82: {  	[bflag:$0x0] =	sbarrier.arrive $0xFFFF  }
0x83: {  	_ =	strace $0x9000004D  }
0x84: {  	s0 =	stileid.u32;
	[bflag:$0x2] =	sbarrier.arrive $0xFFFF  }
0x85: {  	p0 =	sne.s32 s0, $0x0;
	s0 =	rddreg [dreg:$0x2]  }
0x86: {  	s0 =	sadd.s32 @!p0 $0x100000, s0  }
0x87: {  	[sflag:s0] =	ssyncadd.tile.s32 @!p0 $0x1;
	_ =	shalt  }
.Lfunc_end2:
_tile_overlayer_lowered:
.L_overlay_start_2:
0x88: {  	(tag) =	ssettag $0x2  }
0x89: {  	s0 =	rddreg [dreg:$0x0];
	s2 =	stileid.u32  }
0x8a: {  	s1 =	rddreg [dreg:$0x1];
	p0 =	sne.s32 s2, $0x0  }
0x8b: {  	s3 =	rddreg [dreg:$0x2];
	[bflag:$0x3] =	sbarrier.arrive $0xFFFF;
	s2 =	simm.s32 @!p0 $0x1C05  }
0x8c: {  	[timem:s3], [sflag:s2] =	dma.local @!p0 [hbm:s0], s1  }
0x8d: {  	s0 =	simm.s32 @!p0 $0x5  }
0x8e: {  	_ =	swait.ge @!p0 [sflag:s0], s1  }
0x8f: {  	s1 =	ssub.s32 @!p0 $0x0, s1;
	[sflag:s0] =	ssyncset.done @!p0 $0x0  }
0x90: {  	[sflag:s0] =	ssyncadd.s32 @!p0 s1  }
0x91: {  	[bflag:$0x3] =	sbarrier.arrive $0xFFFF  }
0x92: {  	_ =	shalt  }

// kernel: kernel.8.cloned.1.call-start
scs
__scs_entry_jumppad:
0x0: {  	(pc) =	sbr.rel $0x88, $3  }
0x1: {  	(tag) =	ssettag $0x0;
	lr =	simm.s32 $0x1  }
0x2: {  	[smem:$0x3F97] =	sst lr;
	_ =	strace $0xD0000000  }
0x3: {  	_ = 	snop  }
0x4: {  	_ = 	snop  }
0x5: {  	_ = 	snop  }
0x6: {  	_ = 	snop  }
0x7: {  	_ = 	snop  }
__scs_overlays_trampoline_lowered:
0x8: {  	[smem:$0x3FA6] =	sst s0  }
0x9: {  	[smem:$0x3FA7] =	sst s1  }
0xa: {  	[smem:$0x3FA8] =	sst s2  }
0xb: {  	[smem:$0x3FA9] =	sst s3  }
0xc: {  	[smem:$0x3FAA] =	sst s4  }
0xd: {  	[smem:$0x3FAB] =	sst s5  }
0xe: {  	[smem:$0x3FAC] =	sst s6  }
0xf: {  	[smem:$0x3FAD] =	sst s7  }
0x10: {  	[smem:$0x3FAE] =	sst s8  }
0x11: {  	[smem:$0x3FAF] =	sst s9;
	s0 =	simm.s32 @!p0 $0x0  }
0x12: {  	s1 =	sld [smem:$0x3F95];
	s0 =	simm.s32 @p0 $0x1  }
0x13: {  	[smem:$0x3FB0] =	sst s0;
	s0 =	simm.s32 @!p1 $0x0  }
0x14: {  	s2 =	sld [smem:$0x3F94];
	s0 =	simm.s32 @p1 $0x1  }
0x15: {  	[smem:$0x3FB1] =	sst s0;
	s0 =	simm.s32 @!p2 $0x0  }
0x16: {  	s3 =	sld [smem:$0x3FDB];
	s0 =	simm.s32 @p2 $0x1  }
0x17: {  	s4 =	simm.s32 $0x1BF5;
	[smem:$0x3FB3] =	sst s0  }
0x18: {  	s0 =	sld [smem:$0x3F96];
	_ =	swait.ge [sflag:s4], $0x0  }
0x19: {  	s7 =	sld [smem:$0x3F97]  }
0x1a: {  	s8 =	sadd.s32 $0xFFFFE003, lr  }
0x1b: {  	s9 =	sadd.s32 $0xFFFFFEF7, lr;
	s5 =	simm.s32 $0xFFFFFFFF;
	p2 =	slt.u32 s8, $0xFFFFF086  }
0x1c: {  	p1 =	slt.u32 s9, $0xF7A;
	s5 =	simm.s32 @!p2 $0x0  }
0x1d: {  	s5 =	simm.s32 @p1 $0x1;
	p0 =	seq.s32 s7, s2  }
0x1e: {  	s7 =	smul.u32 @!p0 $0xF7A, s2;
	p2 =	seq.s32 @!p0 s5, $0x0  }
0x1f: {  	s9 =	smul.u32 $0xF7A, s1;
	s8 =	simm.s32 @!p0 $0x1BF5;
	p2 =	por !p2, p0  }
0x20: {  	[sflag:s8] =	ssyncset.s32 @!p0 $0xFFFFF086;
	s6 =	sadd.s32 @!p0 s3, s7;
	s7 =	simm.s32 @!p0 $0x108  }
0x21: {  	s3 =	sadd.s32 s3, s9;
	s6 =	sadd.s32 @!p0 $0x88, s6;
	s7 =	simm.s32 @p2 $0x1082  }
0x22: {  	[simem:s7], [sflag:s8] =	dma.local @!p0 [hbm:s6], $0xF7A  }
0x23: {  	s9 =	sor.u32 $0xD0000000, s2;
	s6 =	simm.s32 $0x108;
	_ =	swait.ge @!p0 [sflag:s8], $0x0  }
0x24: {  	s3 =	sadd.s32 $0x88, s3;
	s6 =	simm.s32 @!p1 $0x1082;
	[sflag:s4] =	ssyncset.s32 $0xFFFFF086  }
0x25: {  	[simem:s6], [sflag:s4] =	dma.local [hbm:s3], $0xF7A  }
0x26: {  	[smem:$0x3F97] =	sst s1;
	(tag) =	ssettag s2;
	_ =	strace s9  }
0x27: {  	s1 =	sld [smem:$0x3FA7]  }
0x28: {  	s2 =	sld [smem:$0x3FA8]  }
0x29: {  	s4 =	sld [smem:$0x3FAA]  }
0x2a: {  	p0 =	seq.s32 s5, $0x0;
	s5 =	sld [smem:$0x3FAB]  }
0x2b: {  	s6 =	sld [smem:$0x3FAC]  }
0x2c: {  	s7 =	sld [smem:$0x3FAD]  }
0x2d: {  	s3 =	simm.s32 $0x108;
	s8 =	sld [smem:$0x3FAE]  }
0x2e: {  	s3 =	simm.s32 @!p0 $0x1082;
	s9 =	sld [smem:$0x3FAF]  }
0x2f: {  	lr =	sadd.s32 s0, s3;
	s0 =	sld [smem:$0x3FA6]  }
0x30: {  	s3 =	sld [smem:$0x3FA9]  }
0x31: {  	[smem:$0x3FB2] =	sst s10  }
0x32: {  	s10 =	sld [smem:$0x3FB0];
	_ =	sdelay $0x3  }
0x33: {  	p0 =	seq.s32 s10, $0x1;
	s10 =	sld [smem:$0x3FB2];
	_ =	sdelay $0x3  }
0x34: {  	[smem:$0x3FB2] =	sst s10  }
0x35: {  	s10 =	sld [smem:$0x3FB1];
	_ =	sdelay $0x3  }
0x36: {  	p1 =	seq.s32 s10, $0x1;
	s10 =	sld [smem:$0x3FB2];
	_ =	sdelay $0x3  }
0x37: {  	[smem:$0x3FB2] =	sst s10  }
0x38: {  	s10 =	sld [smem:$0x3FB3]  }
0x39: {  	_ = 	snop;
	(pc) =	sbr.ind lr, $3  }
0x3a: {  	_ = 	snop  }
0x3b: {  	_ = 	snop  }
0x3c: {  	p2 =	seq.s32 s10, $0x1;
	s10 =	sld [smem:$0x3FB2]  }
0x3d: {  	_ =	shalt  }
0x3e: {  	_ =	shalt  }
0x3f: {  	_ =	shalt  }
0x40: {  	_ =	shalt  }
0x41: {  	_ =	shalt  }
0x42: {  	_ =	shalt  }
0x43: {  	_ =	shalt  }
0x44: {  	_ =	shalt  }
0x45: {  	_ =	shalt  }
0x46: {  	_ =	shalt  }
0x47: {  	_ =	shalt  }
0x48: {  	_ =	shalt  }
0x49: {  	_ =	shalt  }
0x4a: {  	_ =	shalt  }
0x4b: {  	_ =	shalt  }
0x4c: {  	_ =	shalt  }
0x4d: {  	_ =	shalt  }
0x4e: {  	_ =	shalt  }
0x4f: {  	_ =	shalt  }
0x50: {  	_ =	shalt  }
0x51: {  	_ =	shalt  }
0x52: {  	_ =	shalt  }
0x53: {  	_ =	shalt  }
0x54: {  	_ =	shalt  }
0x55: {  	_ =	shalt  }
0x56: {  	_ =	shalt  }
0x57: {  	_ =	shalt  }
0x58: {  	_ =	shalt  }
0x59: {  	_ =	shalt  }
0x5a: {  	_ =	shalt  }
0x5b: {  	_ =	shalt  }
0x5c: {  	_ =	shalt  }
0x5d: {  	_ =	shalt  }
0x5e: {  	_ =	shalt  }
0x5f: {  	_ =	shalt  }
0x60: {  	_ =	shalt  }
0x61: {  	_ =	shalt  }
0x62: {  	_ =	shalt  }
0x63: {  	_ =	shalt  }
0x64: {  	_ =	shalt  }
0x65: {  	_ =	shalt  }
0x66: {  	_ =	shalt  }
0x67: {  	_ =	shalt  }
0x68: {  	_ =	shalt  }
0x69: {  	_ =	shalt  }
0x6a: {  	_ =	shalt  }
0x6b: {  	_ =	shalt  }
0x6c: {  	_ =	shalt  }
0x6d: {  	_ =	shalt  }
0x6e: {  	_ =	shalt  }
0x6f: {  	_ =	shalt  }
0x70: {  	_ =	shalt  }
0x71: {  	_ =	shalt  }
0x72: {  	_ =	shalt  }
0x73: {  	_ =	shalt  }
0x74: {  	_ =	shalt  }
0x75: {  	_ =	shalt  }
0x76: {  	_ =	shalt  }
0x77: {  	_ =	shalt  }
0x78: {  	_ =	shalt  }
0x79: {  	_ =	shalt  }
0x7a: {  	_ =	shalt  }
0x7b: {  	_ =	shalt  }
0x7c: {  	_ =	shalt  }
0x7d: {  	_ =	shalt  }
0x7e: {  	_ =	shalt  }
0x7f: {  	_ =	shalt  }
0x80: {  	_ =	shalt  }
0x81: {  	_ =	shalt  }
0x82: {  	_ =	shalt  }
0x83: {  	_ =	shalt  }
0x84: {  	_ =	shalt  }
0x85: {  	_ =	shalt  }
0x86: {  	_ =	shalt  }
0x87: {  	_ =	shalt  }
.Lfunc_end0:
.L_simem_size_0:
called_computation_lowered:
.L_overlay_start_0:
0x88: {  	s2 =	sld [smem:$0x3FD9]  }
0x89: {  	s3 =	sld [smem:$0x3FFE];
	_ =	sdelay $0x1  }
0x8a: {  	s1 =	srdreg.scid  }
0x8b: {  	s0 =	sand.u32 $0x1, s1  }
0x8c: {  	s17 =	sshll.u32 s0, $0xA;
	s2 =	sadd.s32 s3, s2  }
0x8d: {  	s2 =	sadd.s32 s2, s17  }
0x8e: {  	[smem:$0x3FBE] =	sst s2  }
0x8f: {  	_ = 	snop  }
0x90: {  	s2 =	sld [smem:$0x3FD0];
	(tm) =	ssettm $0x1  }
0x91: {  	s18 =	sld [smem:$0x3FFB];
	_ =	sdelay $0x3  }
0x92: {  	_ =	strace s18  }
0x93: {  	s3 =	sld [smem:$0x3FFC];
	_ =	sdelay $0x3  }
0x94: {  	_ =	strace s3  }
0x95: {  	s3 =	sld [smem:$0x3FFD];
	_ =	sdelay $0x3  }
0x96: {  	_ =	strace s3  }
0x97: {  	_ =	strace $0x8FFFFFFF  }
0x98: {  	s19 =	sld [smem:$0x3FDB];
	_ =	sdelay $0x1  }
0x99: {  	s4 =	simm.s32 $_scs_section_size  }
0x9a: {  	s5 =	simm.s32 $_size__tile_overlayer_lowered;
	s6 =	simm.s32 $_tile_overlayer_lowered  }
0x9b: {  	s22 =	simm.s32 $0x1BFF;
	s21 =	sshll.u32 s6, $0x1;
	s3 =	sadd.s32 s4, s19  }
0x9c: {  	s7 =	simm.s32 $0x0;
	s20 =	sshll.u32 s5, $0x1;
	s5 =	sadd.s32 s21, s3  }
0x9d: {  	[timem:s7], [sflag:s22] =	dma.local [hbm:s5], s20  }
0x9e: {  	_ =	swait.ge [sflag:s22], s20  }
0x9f: {  	s4 =	ssub.s32 $0x0, s20;
	[sflag:s22] =	ssyncset.done $0x0  }
0xa0: {  	[sflag:s22] =	ssyncadd.s32 s4;
	_ =	sdelay $0x1  }
0xa1: {  	s23 =	simm.s32 $0x1B8B  }
0xa2: {  	_ =	swait.ge [sflag:s23], $0x1  }
0xa3: {  	[sflag:s23] =	ssyncset.done $0x0  }
0xa4: {  	s25 =	simm.s32 $0x1B8E;
	s24 =	sld [smem:$0x3FFE];
	[sflag:s23] =	ssyncadd.s32 $0xFFFFFFFF  }
0xa5: {  	s26 =	simm.s32 $execute0_lowered;
	[smem:$0x3FD2] =	sst s25  }
0xa6: {  	s5 =	sshll.u32 s26, $0x1;
	_ =	strace $0x80000046;
	[dreg:$0x1] =	wrdreg $0xFFFFFFFF  }
0xa7: {  	s28 =	simm.s32 $_size_execute0_lowered;
	s3 =	sadd.s32 s3, s5;
	[dreg:$0x0] =	wrdreg $0x0  }
0xa8: {  	s5 =	sshll.u32 s28, $0x1;
	[dreg:$0x2] =	wrdreg s3  }
0xa9: {  	[dreg:$0x3] =	wrdreg s5  }
0xaa: {  	[dreg:$0x4] =	wrdreg $0xC0  }
0xab: {  	_ =	task [dreg:s7], $0x5FFFF  }
0xac: {  	[dreg:$0x1] =	wrdreg $0xFFFFFFFF  }
0xad: {  	[dreg:$0x0] =	wrdreg $0x60  }
0xae: {  	[dreg:$0x2] =	wrdreg s24  }
0xaf: {  	[dreg:$0x3] =	wrdreg s2  }
0xb0: {  	[dreg:$0x4] =	wrdreg $0x17000  }
0xb1: {  	[dreg:$0x5] =	wrdreg $0x9  }
0xb2: {  	_ =	task.clear_ibuf [dreg:s7], $0x6FFFF;
	_ =	strace $0x90000046  }
0xb3: {  	s29 =	simm.s32 $0x9;
	_ =	strace $0x80000048  }
0xb4: {  	_ =	swait.ge [sflag:s29], $0x1  }
0xb5: {  	[sflag:s29] =	ssyncadd.s32 $0xFFFFFFFF  }
0xb6: {  	_ =	strace $0x90000048  }
0xb7: {  	_ =	sfence  }
0xb8: {  	s30 =	sld [smem:$0x0];
	_ =	sdelay $0x2  }
0xb9: {  	s31 =	sshll.u32 s1, $0xD;
	s1 =	sshrl.u32 s1, $0x2  }
0xba: {  	s3 =	sand.u32 $0x4000, s31;
	s1 =	sadd.s32 s1, s30  }
0xbb: {  	s0 =	sor.u32 s3, s0;
	s1 =	sshll.u32 s1, $0x11  }
0xbc: {  	s0 =	sor.u32 s1, s0  }
0xbd: {  	s0 =	sadd.s32 $0x8F2B, s0  }
0xbe: {  	[sflag:s0] =	ssyncadd.remote.s32 $0x1  }
0xbf: {  	_ =	sfence.sel $0xFFFF  }
0xc0: {  	[dreg:$0x0] =	wrdreg $0xFFFFFFFF;
	(pc) =	sbr.abs _section_cstart, $3  }
0xc1: {  	[dreg:$0x1] =	wrdreg $0xFFFFFFFF  }
0xc2: {  	_ =	task.clear_ibuf [dreg:s7], $0x2FFFF;
	_ =	strace $0x9FFFFFFF  }
0xc3: {  	(tm) =	ssettm $0x7FFFFFFF  }
tec
execute0_lowered:
.L_overlay_start_1:
0x0: {  	(tag) =	ssettag $0x1  }
0x1: {  	s4 =	rddreg [dreg:$0x0]  }
0x2: {  	s7 =	rddreg [dreg:$0x1];
	s0 =	srdreg.scid  }
0x3: {  	s2 =	rddreg [dreg:$0x2];
	s1 =	stileid.u32;
	s3 =	simm.s32 $0x0  }
0x4: {  	s12 =	simm.s32 $0x1;
	s13 =	simm.s32 $0x2;
	s14 =	simm.s32 $0x1380  }
0x5: {  	s17 =	simm.s32 $0x0;
	s6 =	sand.u32 $0x1, s0;
	s0 =	rddreg [dreg:$0x3]  }
0x6: {  	s8 =	smul.u32 $0x280, s1;
	[smem:$0x7FF] =	sst s3;
	s11 =	sadd.s32 $0xD200, s4  }
0x7: {  	s15 =	sshll.u32 s1, $0x6;
	s5 =	smul.u32 $0x2800, s6;
	s9 =	ssub.s32 $0x2, s6  }
0x8: {  	_ =	strace $0x80000047;
	p0 =	seq.s32 s6, $0x1;
	s15 =	sor.u32 $0x1C03, s15  }
0x9: {  	s10 =	sshrl.u32 s9, $0x1;
	s7 =	smov.u32 @p0 s11;
	s11 =	simm.s32 $0x1400  }
0xa: {  	s5 =	sadd.s32 s8, s5;
	s9 =	ssub.s32 s9, s10;
	s10 =	simm.s32 $0x80  }
0xb: {  	s5 =	sadd.s32 s5, s4;
	s6 =	smax.u32 s9, $0x1;
	s9 =	simm.s32 $0x1480  }
0xc: {  	s4 =	sadd.s32 $0x8200, s5;
	s5 =	sadd.s32 s8, s2;
	s8 =	sshrl.u32 s8, $0x3  }
0xd: {  	v0 =	vimm.f32 $1.000000000e+00;
	v1 =	vimm.f32 $0.0e+00;
	s7 =	sadd.s32 s7, s8;
	s8 =	simm.s32 $0x3;
	s16 =	sshrl.u32 s5, $0x3  }
.LBB2_1:
0xe: {  	[tilespmem:$0x1400] =	vst v0  }
0xf: {  	[tilespmem:$0x1410] =	vst v0  }
0x10: {  	[tilespmem:$0x1420] =	vst v0  }
0x11: {  	[tilespmem:$0x1430] =	vst v0  }
0x12: {  	[tilespmem:$0x1440] =	vst v0  }
0x13: {  	[tilespmem:$0x1450] =	vst v0  }
0x14: {  	[tilespmem:$0x1460] =	vst v0  }
0x15: {  	[tilespmem:$0x1470] =	vst v0  }
0x16: {  	[tilespmem:$0x1480] =	vst v1  }
0x17: {  	[tilespmem:$0x1490] =	vst v1  }
0x18: {  	[tilespmem:$0x14A0] =	vst v1  }
0x19: {  	[tilespmem:$0x14B0] =	vst v1  }
0x1a: {  	[tilespmem:$0x14C0] =	vst v1  }
0x1b: {  	[tilespmem:$0x14D0] =	vst v1  }
0x1c: {  	[tilespmem:$0x14E0] =	vst v1  }
0x1d: {  	[tilespmem:$0x14F0] =	vst v1  }
0x1e: {  	[tilespmem:$0x1500] =	vst v1  }
0x1f: {  	[tilespmem:$0x1510] =	vst v1  }
0x20: {  	[tilespmem:$0x1520] =	vst v1  }
0x21: {  	[tilespmem:$0x1530] =	vst v1  }
0x22: {  	[tilespmem:$0x1540] =	vst v1  }
0x23: {  	[tilespmem:$0x1550] =	vst v1  }
0x24: {  	[tilespmem:$0x1560] =	vst v1  }
0x25: {  	[tilespmem:$0x1570] =	vst v1  }
0x26: {  	[tilespmem:$0x1580] =	vst v1  }
0x27: {  	[tilespmem:$0x1590] =	vst v1  }
0x28: {  	[tilespmem:$0x15A0] =	vst v1  }
0x29: {  	[tilespmem:$0x15B0] =	vst v1  }
0x2a: {  	[tilespmem:$0x15C0] =	vst v1  }
0x2b: {  	[tilespmem:$0x15D0] =	vst v1  }
0x2c: {  	[tilespmem:$0x15E0] =	vst v1  }
0x2d: {  	[tilespmem:$0x15F0] =	vst v1  }
0x2e: {  	[tilespmem:$0x1600] =	vst v1  }
0x2f: {  	[tilespmem:$0x1610] =	vst v1  }
0x30: {  	[tilespmem:$0x1620] =	vst v1  }
0x31: {  	[tilespmem:$0x1630] =	vst v1  }
0x32: {  	[tilespmem:$0x1640] =	vst v1  }
0x33: {  	[tilespmem:$0x1650] =	vst v1  }
0x34: {  	[tilespmem:$0x1660] =	vst v1  }
0x35: {  	[tilespmem:$0x1670] =	vst v1  }
0x36: {  	[tilespmem:$0x1680] =	vst v1  }
0x37: {  	[tilespmem:$0x1690] =	vst v1  }
0x38: {  	[tilespmem:$0x16A0] =	vst v1  }
0x39: {  	[tilespmem:$0x16B0] =	vst v1  }
0x3a: {  	[tilespmem:$0x16C0] =	vst v1  }
0x3b: {  	[tilespmem:$0x16D0] =	vst v1  }
0x3c: {  	[tilespmem:$0x16E0] =	vst v1  }
0x3d: {  	[tilespmem:$0x16F0] =	vst v1  }
0x3e: {  	[tilespmem:s3], [sflag:$0x3] =	stream.linear.gather [hbm4b:s4+s3], $0x1400, $0x38;
	[tilespmem:$0x1980] =	vst v63  }
0x3f: {  	_ =	swait.ge [sflag:s8], $0x1400  }
0x40: {  	[sflag:s8] =	ssyncset.done $0x0  }
0x41: {  	[sflag:s8] =	ssyncadd.s32 $0xFFFFEC00  }
0x42: {  	[spmem:s5] =	stream.linear.scatter [tilespmem:s9], [sflag:$0x3], $0x280, $0x38;
	[tilespmem:$0x1980] =	vst v63  }
0x43: {  	_ =	swait.ge [sflag:s8], $0x280  }
0x44: {  	[sflag:s8] =	ssyncset.done $0x0  }
0x45: {  	[sflag:s8] =	ssyncadd.s32 $0xFFFFFD80  }
0x46: {  	[bflag:$0x0] =	sbarrier.arrive $0xFFFF  }
0x47: {  	[spmem:s2] =	stream.indirect.scatter.add.f32 [tilespmem:s11], [sflag:$0x1], $0x1, s3, s10, $0xb8;
	[tilespmem:$0x1980] =	vst v63  }
0x48: {  	s18 =	simm.s32 $0x80  }
0x49: {  	[spmem:s2] =	stream.indirect.scatter.add.f32 [tilespmem:s11], [sflag:$0x2], $0x1, s18, s10, $0xb8;
	[tilespmem:$0x1980] =	vst v63  }
0x4a: {  	_ =	swait.ge [sflag:s12], $0x80  }
0x4b: {  	[sflag:s12] =	ssyncset.done $0x0  }
0x4c: {  	s31 =	simm.s32 $0x100;
	[sflag:s12] =	ssyncadd.s32 $0xFFFFFF80  }
0x4d: {  	[spmem:s2] =	stream.indirect.scatter.add.f32 [tilespmem:s11], [sflag:$0x1], $0x1, s31, s10, $0xb8;
	[tilespmem:$0x1980] =	vst v63  }
0x4e: {  	_ =	swait.ge [sflag:s13], $0x80  }
0x4f: {  	s19 =	simm.s32 $0xFFFFBC00;
	s18 =	simm.s32 $0xFFFFEE00;
	[sflag:s13] =	ssyncset.done $0x0  }
.LBB2_2:
0x50: {  	s20 =	sadd.s32 $0x1380, s18  }
0x51: {  	[sflag:s13] =	ssyncadd.s32 $0xFFFFFF80;
	s21 =	smov.u32 s19;
	s22 =	sadd.s32 $0x400, s19  }
0x52: {  	[spmem:s2] =	stream.indirect.scatter.add.f32 [tilespmem:s11], [sflag:$0x2], $0x1, s20, s10, $0xb8;
	[tilespmem:$0x1980] =	vst v63  }
0x53: {  	p0 =	sne.s32 s19, $0xFFFFFC00;
	_ =	swait.ge [sflag:s12], $0x80  }
.Ltmp0:
0x54: {  	[sflag:s12] =	ssyncset.done $0x0;
	(pc) =	sbr.rel @p0 .LBB2_2-.Ltmp0, $4  }
0x55: {  	s18 =	sadd.s32 $0x1400, s18;
	[sflag:s12] =	ssyncadd.s32 $0xFFFFFF80  }
0x56: {  	[spmem:s2] =	stream.indirect.scatter.add.f32 [tilespmem:s11], [sflag:$0x1], $0x1, s18, s10, $0xb8;
	[tilespmem:$0x1980] =	vst v63  }
0x57: {  	_ =	swait.ge [sflag:s13], $0x80  }
0x58: {  	s19 =	smov.u32 s22;
	s18 =	sshra.s32 s21, $0x2;
	[sflag:s13] =	ssyncset.done $0x0  }
0x59: {  	s19 =	sadd.s32 $0x1380, s18;
	[sflag:s13] =	ssyncadd.s32 $0xFFFFFF80  }
0x5a: {  	[spmem:s2] =	stream.indirect.scatter.add.f32 [tilespmem:s11], [sflag:$0x2], $0x1, s19, s10, $0xb8;
	[tilespmem:$0x1980] =	vst v63  }
0x5b: {  	_ =	swait.ge [sflag:s12], $0x80  }
0x5c: {  	[sflag:s12] =	ssyncset.done $0x0  }
0x5d: {  	s31 =	sadd.s32 $0x1400, s18;
	[sflag:s12] =	ssyncadd.s32 $0xFFFFFF80  }
0x5e: {  	[spmem:s2] =	stream.indirect.scatter.add.f32 [tilespmem:s11], [sflag:$0x1], $0x1, s31, s10, $0xb8;
	[tilespmem:$0x1980] =	vst v63  }
0x5f: {  	_ =	swait.ge [sflag:s13], $0x80  }
0x60: {  	[sflag:s13] =	ssyncset.done $0x0  }
0x61: {  	[sflag:s13] =	ssyncadd.s32 $0xFFFFFF80  }
0x62: {  	[spmem:s2] =	stream.indirect.scatter.add.f32 [tilespmem:s11], [sflag:$0x2], $0x1, s14, s10, $0xb8;
	[tilespmem:$0x1980] =	vst v63  }
0x63: {  	_ =	swait.ge [sflag:s12], $0x80  }
0x64: {  	[sflag:s12] =	ssyncset.done $0x0  }
0x65: {  	[sflag:s12] =	ssyncadd.s32 $0xFFFFFF80  }
0x66: {  	_ =	swait.ge [sflag:s13], $0x80  }
0x67: {  	s17 =	sadd.s32 $0x1, s17;
	[sflag:s13] =	ssyncset.done $0x0  }
0x68: {  	p0 =	sne.s32 s17, s6;
	[sflag:s13] =	ssyncadd.s32 $0xFFFFFF80  }
.Ltmp1:
0x69: {  	[bflag:$0x0] =	sbarrier.arrive $0xFFFF;
	(pc) =	sbr.rel @p0 .LBB2_1-.Ltmp1, $4  }
0x6a: {  	[hbm:s7], [sflag:s15] =	dma.local [spmem:s16], $0x50  }
0x6b: {  	_ =	swait.ge [sflag:s8], $0x50  }
0x6c: {  	[sflag:s8] =	ssyncset.done $0x0  }
0x6d: {  	[sflag:s8] =	ssyncadd.s32 $0xFFFFFFB0  }
0x6e: {  	_ =	sfence.sel $0x180000  }
0x6f: {  	[bflag:$0x0] =	sbarrier.arrive $0xFFFF  }
0x70: {  	p0 =	sne.s32 s1, $0x0;
	_ =	strace $0x90000047  }
0x71: {  	s0 =	sadd.s32 @!p0 $0x100000, s0;
	[bflag:$0x2] =	sbarrier.arrive $0xFFFF  }
0x72: {  	[sflag:s0] =	ssyncadd.tile.s32 @!p0 $0x1;
	_ =	shalt  }
.Lfunc_end2:
_tile_overlayer_lowered:
.L_overlay_start_2:
0x73: {  	(tag) =	ssettag $0x2  }
0x74: {  	s0 =	rddreg [dreg:$0x0];
	s2 =	stileid.u32  }
0x75: {  	s1 =	rddreg [dreg:$0x1];
	p0 =	sne.s32 s2, $0x0  }
0x76: {  	s3 =	rddreg [dreg:$0x2];
	[bflag:$0x3] =	sbarrier.arrive $0xFFFF;
	s2 =	simm.s32 @!p0 $0x1C03  }
0x77: {  	[timem:s3], [sflag:s2] =	dma.local @!p0 [hbm:s0], s1  }
0x78: {  	s0 =	simm.s32 @!p0 $0x3  }
0x79: {  	_ =	swait.ge @!p0 [sflag:s0], s1  }
0x7a: {  	s1 =	ssub.s32 @!p0 $0x0, s1;
	[sflag:s0] =	ssyncset.done @!p0 $0x0  }
0x7b: {  	[sflag:s0] =	ssyncadd.s32 @!p0 s1  }
0x7c: {  	[bflag:$0x3] =	sbarrier.arrive $0xFFFF  }
0x7d: {  	_ =	shalt  }

</sc_bundles>
